<compile_context>
chip_gen: v7x
topology: tpu7x:2x2x1
jax: 0.10.2.dev20260603
libtpu: 0.0.44.dev20260713+nightly
codegen_flags: <defaults>
</compile_context>

<pallas_src>
import functools

import jax
import jax.numpy as jnp
from jax import lax
from jax.experimental import pallas as pl
from jax.experimental.pallas import tpu as pltpu
from jax.experimental.pallas import tpu_sc as plsc

_DIM = 1000
_N0 = 4096
_N1 = 26
_DP = 8
_PIECES_PER_COL = _DIM // _DP
_NPIECES = _N1 * _PIECES_PER_COL
_NW = 32
_BASE = _NPIECES // _NW
_EXTRA = _NPIECES % _NW
_GROUPS = _N0 // 16


def _sc_body(idx_hbm, out_hbm, cols, bufs, sems):
    cid = lax.axis_index("c")
    sid = lax.axis_index("s")
    wid = sid * 2 + cid
    iota16 = lax.iota(jnp.int32, 16)
    ones16 = jnp.ones((16,), jnp.float32)
    zeros16 = jnp.zeros((16,), jnp.float32)

    lo = wid * _BASE + lax.min(wid, _EXTRA)
    nk = _BASE + jnp.where(wid < _EXTRA, 1, 0)

    for s in range(2):
        @pl.loop(0, _DP)
        def _zr(r):
            @pl.loop(0, _GROUPS)
            def _zg(g):
                bufs[s, r, pl.ds(g * 16, 16)] = zeros16

    def _scan(slot, piece, val16):
        d_lo = lax.rem(piece, _PIECES_PER_COL) * _DP

        @pl.loop(0, _GROUPS, unroll=2)
        def _g(g):
            v = cols[slot, pl.ds(g * 16, 16)]
            rel = v - d_lo
            m = rel.astype(jnp.uint32) < _DP
            relc = jnp.where(m, rel, 0)
            i_vec = g * 16 + iota16
            plsc.store_scatter(bufs.at[slot], [relc, i_vec], val16, mask=m)

    def _dma(slot, piece):
        c = lax.div(piece, _PIECES_PER_COL)
        d_lo = lax.rem(piece, _PIECES_PER_COL) * _DP
        return pltpu.make_async_copy(
            bufs.at[slot],
            out_hbm.at[c, pl.ds(d_lo, _DP), :],
            sems.at[slot],
        )

    @pl.loop(0, nk, init_carry=(jnp.int32(-1), jnp.int32(-1)))
    def _k(k, carry):
        c0, c1 = carry
        piece = lo + k
        slot = lax.rem(k, 2)

        @pl.when(k >= 2)
        def _():
            old = piece - 2
            _dma(slot, old).wait()
            _scan(slot, old, zeros16)

        c = lax.div(piece, _PIECES_PER_COL)
        c_slot = jnp.where(slot == 0, c0, c1)

        @pl.when(c != c_slot)
        def _():
            pltpu.sync_copy(idx_hbm.at[c], cols.at[slot])

        _scan(slot, piece, ones16)
        _dma(slot, piece).start()
        return (
            jnp.where(slot == 0, c, c0),
            jnp.where(slot == 1, c, c1),
        )

    for t in range(2):
        k2 = nk - 2 + t
        piece2 = lo + k2
        slot2 = lax.rem(k2, 2)
        _dma(slot2, piece2).wait()


def kernel(tensor):
    n0, n1 = tensor.shape
    idx_t = tensor.astype(jnp.int32).T
    mesh = plsc.VectorSubcoreMesh(core_axis_name="c", subcore_axis_name="s")
    sc_call = functools.partial(
        pl.kernel,
        out_type=jax.ShapeDtypeStruct((_N1, _DIM, _N0), jnp.float32),
        mesh=mesh,
        compiler_params=pltpu.CompilerParams(needs_layout_passes=False),
        scratch_types=[
            pltpu.VMEM((2, _N0), jnp.int32),
            pltpu.VMEM((2, _DP, _N0), jnp.float32),
            pltpu.SemaphoreType.DMA((2,)),
        ],
    )(_sc_body)
    out_phys = sc_call(idx_t)
    return jnp.transpose(out_phys, (2, 0, 1))

# --- scband reference (transcript-rebuilt; emitter-appended) ---
"""Pipeline reference for scband-one-hot-7507602833878 (READ-ONLY COPY).

The authoritative reference and input builder live on the scoring server;
editing this copy changes nothing except your own understanding.
"""

import jax, jax.numpy as jnp
import numpy as np

DIM = 1000

def setup_inputs(seed: int = 0) -> dict:
    key = jax.random.key(seed)
    tensor = jax.random.randint(key, (4096, 26), 0, DIM, dtype=jnp.int64)
    return {"tensor": tensor}

def reference(tensor):
    # Faithful translation of OneHot.forward: F.one_hot(column, dim).to(float32)
    out = jax.nn.one_hot(tensor, DIM, dtype=jnp.float32)
    return out

if __name__ == "__main__":
    import jax
    _d = setup_inputs()
    print(jax.jit(kernel)(*tuple(_d.values())))

</pallas_src>

<mosaic_0001>
#map = affine_map<(d0, d1) -> (0, 0)>
#map1 = affine_map<(d0, d1) -> (0, 0, 0)>
module attributes {stable_mosaic.version = 14 : i64} {
  func.func @_sc_body(%arg0: i32, %arg1: i32, %arg2: memref<26x4096xi32, #tpu.memory_space<hbm>>, %arg3: memref<26x1000x4096xf32, #tpu.memory_space<hbm>>, %arg4: memref<2x4096xi32, #tpu.memory_space<vmem>>, %arg5: memref<2x8x4096xf32, #tpu.memory_space<vmem>>, %arg6: memref<2x!tpu.dma_semaphore, #tpu.memory_space<semaphore_mem>>) attributes {dimension_semantics = [#tpu.dimension_semantics<core_parallel>, #tpu.dimension_semantics<subcore_parallel>], iteration_bounds = array<i64: 2, 16>, scalar_prefetch = 0 : i64, scratch_operands = 3 : i64, tpu.core_type = #tpu.core_type<sc_vector_subcore>, window_params = [{transform_indices = #map}, {transform_indices = #map1}]} {
    %mul3A = arith.constant 2 : i32
    %mul3A_0 = arith.muli %arg1, %mul3A : i32
    %add3A = arith.addi %mul3A_0, %arg0 : i32
    %iota3A = tpu.iota {dimensions = array<i32: 0>} : vector<16xi32>
    %broadcast_in_dim3A = arith.constant 1.000000e+00 : f32
    %broadcast_in_dim3A_1 = vector.broadcast %broadcast_in_dim3A : f32 to vector<16xf32>
    %broadcast_in_dim3A_2 = arith.constant 0.000000e+00 : f32
    %broadcast_in_dim3A_3 = vector.broadcast %broadcast_in_dim3A_2 : f32 to vector<16xf32>
    %mul3A_4 = arith.constant 101 : i32
    %mul3A_5 = arith.muli %add3A, %mul3A_4 : i32
    %min3A = arith.constant 18 : i32
    %min3A_6 = arith.minsi %add3A, %min3A : i32
    %add3A_7 = arith.addi %mul3A_5, %min3A_6 : i32
    %lt3A = arith.constant 18 : i32
    %lt3A_8 = arith.cmpi slt, %add3A, %lt3A : i32
    %jit3A = arith.constant 1 : i32
    %jit3A_9 = arith.constant 0 : i32
    %select_n3A = arith.select %lt3A_8, %jit3A, %jit3A_9 : i32
    %add3A_10 = arith.constant 101 : i32
    %add3A_11 = arith.addi %add3A_10, %select_n3A : i32
    %scan3A = arith.constant 0 : i32
    %scan3A_12 = arith.constant 8 : i32
    %scan3A_13 = arith.addi %scan3A, %scan3A_12 : i32
    %scan3A_14 = arith.constant 1 : i32
    scf.for %scan3A_97 = %scan3A to %scan3A_13 step %scan3A_14  : i32 {
      %mul3A_98 = arith.constant 1 : i32
      %mul3A_99 = arith.muli %scan3A_97, %mul3A_98 : i32
      %add3A_100 = arith.constant 0 : i32
      %add3A_101 = arith.addi %add3A_100, %mul3A_99 : i32
      %scan3A_102 = arith.constant 0 : i32
      %scan3A_103 = arith.constant 256 : i32
      %scan3A_104 = arith.addi %scan3A_102, %scan3A_103 : i32
      %scan3A_105 = arith.constant 1 : i32
      scf.for %scan3A_107 = %scan3A_102 to %scan3A_104 step %scan3A_105  : i32 {
        %mul3A_108 = arith.constant 1 : i32
        %mul3A_109 = arith.muli %scan3A_107, %mul3A_108 : i32
        %add3A_110 = arith.constant 0 : i32
        %add3A_111 = arith.addi %add3A_110, %mul3A_109 : i32
        %mul3A_112 = arith.constant 16 : i32
        %mul3A_113 = arith.muli %add3A_111, %mul3A_112 : i32
        %swap3A = arith.constant 0 : i32
        %swap3A_114 = arith.index_cast %swap3A : i32 to index
        %swap3A_115 = arith.index_cast %add3A_101 : i32 to index
        %swap3A_116 = arith.index_cast %mul3A_113 : i32 to index
        %swap3A_117 = tpu.vector_load %arg5[%swap3A_114, %swap3A_115, %swap3A_116] {strides = array<i32>} : memref<2x8x4096xf32, #tpu.memory_space<vmem>>, vector<16xf32>,
        tpu.vector_store %arg5[%swap3A_114, %swap3A_115, %swap3A_116], %broadcast_in_dim3A_3 {strides = array<i32>} : memref<2x8x4096xf32, #tpu.memory_space<vmem>>, vector<16xf32>,
      }
      %scan3A_106 = arith.constant 256 : i32
    }
    %scan3A_15 = arith.constant 8 : i32
    %scan3A_16 = arith.constant 0 : i32
    %scan3A_17 = arith.constant 8 : i32
    %scan3A_18 = arith.addi %scan3A_16, %scan3A_17 : i32
    %scan3A_19 = arith.constant 1 : i32
    scf.for %scan3A_97 = %scan3A_16 to %scan3A_18 step %scan3A_19  : i32 {
      %mul3A_98 = arith.constant 1 : i32
      %mul3A_99 = arith.muli %scan3A_97, %mul3A_98 : i32
      %add3A_100 = arith.constant 0 : i32
      %add3A_101 = arith.addi %add3A_100, %mul3A_99 : i32
      %scan3A_102 = arith.constant 0 : i32
      %scan3A_103 = arith.constant 256 : i32
      %scan3A_104 = arith.addi %scan3A_102, %scan3A_103 : i32
      %scan3A_105 = arith.constant 1 : i32
      scf.for %scan3A_107 = %scan3A_102 to %scan3A_104 step %scan3A_105  : i32 {
        %mul3A_108 = arith.constant 1 : i32
        %mul3A_109 = arith.muli %scan3A_107, %mul3A_108 : i32
        %add3A_110 = arith.constant 0 : i32
        %add3A_111 = arith.addi %add3A_110, %mul3A_109 : i32
        %mul3A_112 = arith.constant 16 : i32
        %mul3A_113 = arith.muli %add3A_111, %mul3A_112 : i32
        %swap3A = arith.constant 1 : i32
        %swap3A_114 = arith.index_cast %swap3A : i32 to index
        %swap3A_115 = arith.index_cast %add3A_101 : i32 to index
        %swap3A_116 = arith.index_cast %mul3A_113 : i32 to index
        %swap3A_117 = tpu.vector_load %arg5[%swap3A_114, %swap3A_115, %swap3A_116] {strides = array<i32>} : memref<2x8x4096xf32, #tpu.memory_space<vmem>>, vector<16xf32>,
        tpu.vector_store %arg5[%swap3A_114, %swap3A_115, %swap3A_116], %broadcast_in_dim3A_3 {strides = array<i32>} : memref<2x8x4096xf32, #tpu.memory_space<vmem>>, vector<16xf32>,
      }
      %scan3A_106 = arith.constant 256 : i32
    }
    %scan3A_20 = arith.constant 8 : i32
    %sub3A = arith.constant 0 : i32
    %sub3A_21 = arith.subi %add3A_11, %sub3A : i32
    %sub3A_22 = arith.constant 1 : i32
    %sub3A_23 = arith.constant 1 : i32
    %sub3A_24 = arith.subi %sub3A_22, %sub3A_23 : i32
    %add3A_25 = arith.addi %sub3A_21, %sub3A_24 : i32
    %div3A = arith.constant 1 : i32
    %div3A_26 = arith.divsi %add3A_25, %div3A : i32
    %while3A = arith.constant 1 : i32
    %while3A_27 = arith.constant 0 : i32
    %while3A_28 = arith.constant 0 : i32
    %while3A_29 = arith.constant -1 : i32
    %while3A_30 = arith.constant -1 : i32
    %while3A_31 = arith.subi %div3A_26, %while3A_28 : i32
    %while3A_32 = arith.addi %while3A_28, %while3A_31 : i32
    %while3A_33 = arith.constant 1 : i32
    %while3A_34 = arith.divsi %while3A_31, %while3A_33 : i32
    %while3A_35 = arith.muli %while3A_34, %while3A_33 : i32
    %while3A_36 = arith.addi %while3A_28, %while3A_35 : i32
    %while3A_37 = arith.constant 1 : i32
    %while3A_38:2 = scf.for %while3A_97 = %while3A_28 to %while3A_36 step %while3A_37 iter_args(%while3A_98 = %while3A_29, %while3A_99 = %while3A_30) -> (i32, i32)  : i32 {
      %mul3A_100 = arith.muli %while3A_97, %while3A : i32
      %add3A_101 = arith.addi %while3A_27, %mul3A_100 : i32
      %add3A_102 = arith.addi %add3A_7, %add3A_101 : i32
      %rem3A_103 = arith.constant 2 : i32
      %rem3A_104 = arith.remsi %add3A_101, %rem3A_103 : i32
      %ge3A = arith.constant 2 : i32
      %ge3A_105 = arith.cmpi sge, %add3A_101, %ge3A : i32
      %convert_element_type3A = arith.extui %ge3A_105 : i1 to i32
      %cond3A = arith.constant 0 : i32
      %cond3A_106 = arith.cmpi ne, %convert_element_type3A, %cond3A : i32
      scf.if %cond3A_106 {
        %sub3A_150 = arith.constant 2 : i32
        %sub3A_151 = arith.subi %add3A_102, %sub3A_150 : i32
        %div3A_152 = arith.constant 125 : i32
        %div3A_153 = arith.divsi %sub3A_151, %div3A_152 : i32
        %rem3A_154 = arith.constant 125 : i32
        %rem3A_155 = arith.remsi %sub3A_151, %rem3A_154 : i32
        %mul3A_156 = arith.constant 8 : i32
        %mul3A_157 = arith.muli %rem3A_155, %mul3A_156 : i32
        %dma_wait3A_158 = arith.constant 0 : i32
        %dma_wait3A_159 = arith.constant 0 : i32
        %dma_wait3A_160 = tpu.memref_slice %arg5[%rem3A_104, %dma_wait3A_158, %dma_wait3A_159] : memref<2x8x4096xf32, #tpu.memory_space<vmem>> -> memref<1x8x4096xf32, #tpu.memory_space<vmem>>
        %dma_wait3A_161 = tpu.memref_squeeze %dma_wait3A_160 : memref<1x8x4096xf32, #tpu.memory_space<vmem>> -> memref<8x4096xf32, #tpu.memory_space<vmem>>
        %dma_wait3A_162 = arith.constant 0 : i32
        %dma_wait3A_163 = tpu.memref_slice %arg3[%div3A_153, %mul3A_157, %dma_wait3A_162] : memref<26x1000x4096xf32, #tpu.memory_space<hbm>> -> memref<1x8x4096xf32, #tpu.memory_space<hbm>>
        %dma_wait3A_164 = tpu.memref_squeeze %dma_wait3A_163 : memref<1x8x4096xf32, #tpu.memory_space<hbm>> -> memref<8x4096xf32, #tpu.memory_space<hbm>>
        %dma_wait3A_165 = tpu.memref_slice %arg6[%rem3A_104] : memref<2x!tpu.dma_semaphore, #tpu.memory_space<semaphore_mem>> -> memref<1x!tpu.dma_semaphore, #tpu.memory_space<semaphore_mem>>
        %dma_wait3A_166 = tpu.memref_squeeze %dma_wait3A_165 : memref<1x!tpu.dma_semaphore, #tpu.memory_space<semaphore_mem>> -> memref<!tpu.dma_semaphore, #tpu.memory_space<semaphore_mem>>
        %dma_wait3A_167 = arith.constant 0 : i32
        %dma_wait3A_168 = tpu.memref_slice %arg3[%div3A_153, %mul3A_157, %dma_wait3A_167] : memref<26x1000x4096xf32, #tpu.memory_space<hbm>> -> memref<1x8x4096xf32, #tpu.memory_space<hbm>>
        %dma_wait3A_169 = tpu.memref_squeeze %dma_wait3A_168 : memref<1x8x4096xf32, #tpu.memory_space<hbm>> -> memref<8x4096xf32, #tpu.memory_space<hbm>>
        %dma_wait3A_170 = arith.constant 0 : i32
        %dma_wait3A_171 = arith.constant 0 : i32
        %dma_wait3A_172 = tpu.memref_slice %arg5[%rem3A_104, %dma_wait3A_170, %dma_wait3A_171] : memref<2x8x4096xf32, #tpu.memory_space<vmem>> -> memref<1x8x4096xf32, #tpu.memory_space<vmem>>
        %dma_wait3A_173 = tpu.memref_squeeze %dma_wait3A_172 : memref<1x8x4096xf32, #tpu.memory_space<vmem>> -> memref<8x4096xf32, #tpu.memory_space<vmem>>
        tpu.wait_dma2 semaphore(%dma_wait3A_166 : memref<!tpu.dma_semaphore, #tpu.memory_space<semaphore_mem>>) src(%dma_wait3A_173 : memref<8x4096xf32, #tpu.memory_space<vmem>>) dst(%dma_wait3A_169 : memref<8x4096xf32, #tpu.memory_space<hbm>>)
        %rem3A_174 = arith.constant 125 : i32
        %rem3A_175 = arith.remsi %sub3A_151, %rem3A_174 : i32
        %mul3A_176 = arith.constant 8 : i32
        %mul3A_177 = arith.muli %rem3A_175, %mul3A_176 : i32
        %scan3A_178 = arith.constant 0 : i32
        %scan3A_179 = arith.constant 256 : i32
        %scan3A_180 = arith.addi %scan3A_178, %scan3A_179 : i32
        %scan3A_181 = arith.constant 2 : i32
        scf.for %scan3A_183 = %scan3A_178 to %scan3A_180 step %scan3A_181  : i32 {
          %mul3A_184 = arith.constant 1 : i32
          %mul3A_185 = arith.muli %scan3A_183, %mul3A_184 : i32
          %add3A_186 = arith.constant 0 : i32
          %add3A_187 = arith.addi %add3A_186, %mul3A_185 : i32
          %mul3A_188 = arith.constant 16 : i32
          %mul3A_189 = arith.muli %add3A_187, %mul3A_188 : i32
          %get3A = arith.index_cast %rem3A_104 : i32 to index
          %get3A_190 = arith.index_cast %mul3A_189 : i32 to index
          %get3A_191 = tpu.vector_load %arg4[%get3A, %get3A_190] {strides = array<i32>} : memref<2x4096xi32, #tpu.memory_space<vmem>>, vector<16xi32>,
          %sub3A_192 = vector.broadcast %mul3A_177 : i32 to vector<16xi32>
          %sub3A_193 = arith.subi %get3A_191, %sub3A_192 : vector<16xi32>
          %lt3A_194 = arith.constant 8 : i32
          %lt3A_195 = vector.broadcast %lt3A_194 : i32 to vector<16xi32>
          %lt3A_196 = arith.cmpi ult, %sub3A_193, %lt3A_195 : vector<16xi32>
          %jit3A_197 = arith.constant 0 : i32
          %broadcast_in_dim3A_198 = vector.broadcast %jit3A_197 : i32 to vector<16xi32>
          %select_n3A_199 = arith.select %lt3A_196, %sub3A_193, %broadcast_in_dim3A_198 : vector<16xi1>, vector<16xi32>
          %mul3A_200 = arith.constant 16 : i32
          %mul3A_201 = arith.muli %add3A_187, %mul3A_200 : i32
          %add3A_202 = vector.broadcast %mul3A_201 : i32 to vector<16xi32>
          %add3A_203 = arith.addi %add3A_202, %iota3A : vector<16xi32>
          %scatter3A = arith.constant 0 : i32
          %scatter3A_204 = arith.constant 0 : i32
          %scatter3A_205 = tpu.memref_slice %arg5[%rem3A_104, %scatter3A, %scatter3A_204] : memref<2x8x4096xf32, #tpu.memory_space<vmem>> -> memref<1x8x4096xf32, #tpu.memory_space<vmem>>
          %scatter3A_206 = tpu.memref_squeeze %scatter3A_205 : memref<1x8x4096xf32, #tpu.memory_space<vmem>> -> memref<8x4096xf32, #tpu.memory_space<vmem>>
          tpu.vector_store_idx %scatter3A_206[%select_n3A_199, %add3A_203], %broadcast_in_dim3A_3 masked %lt3A_196 : memref<8x4096xf32, #tpu.memory_space<vmem>>[vector<16xi32>, vector<16xi32>], vector<16xf32>, vector<16xi1>
          %scan3A_207 = arith.constant 1 : i32
          %scan3A_208 = arith.addi %scan3A_183, %scan3A_207 : i32
          %mul3A_209 = arith.constant 1 : i32
          %mul3A_210 = arith.muli %scan3A_208, %mul3A_209 : i32
          %add3A_211 = arith.constant 0 : i32
          %add3A_212 = arith.addi %add3A_211, %mul3A_210 : i32
          %mul3A_213 = arith.constant 16 : i32
          %mul3A_214 = arith.muli %add3A_212, %mul3A_213 : i32
          %get3A_215 = arith.index_cast %rem3A_104 : i32 to index
          %get3A_216 = arith.index_cast %mul3A_214 : i32 to index
          %get3A_217 = tpu.vector_load %arg4[%get3A_215, %get3A_216] {strides = array<i32>} : memref<2x4096xi32, #tpu.memory_space<vmem>>, vector<16xi32>,
          %sub3A_218 = vector.broadcast %mul3A_177 : i32 to vector<16xi32>
          %sub3A_219 = arith.subi %get3A_217, %sub3A_218 : vector<16xi32>
          %lt3A_220 = arith.constant 8 : i32
          %lt3A_221 = vector.broadcast %lt3A_220 : i32 to vector<16xi32>
          %lt3A_222 = arith.cmpi ult, %sub3A_219, %lt3A_221 : vector<16xi32>
          %jit3A_223 = arith.constant 0 : i32
          %broadcast_in_dim3A_224 = vector.broadcast %jit3A_223 : i32 to vector<16xi32>
          %select_n3A_225 = arith.select %lt3A_222, %sub3A_219, %broadcast_in_dim3A_224 : vector<16xi1>, vector<16xi32>
          %mul3A_226 = arith.constant 16 : i32
          %mul3A_227 = arith.muli %add3A_212, %mul3A_226 : i32
          %add3A_228 = vector.broadcast %mul3A_227 : i32 to vector<16xi32>
          %add3A_229 = arith.addi %add3A_228, %iota3A : vector<16xi32>
          %scatter3A_230 = arith.constant 0 : i32
          %scatter3A_231 = arith.constant 0 : i32
          %scatter3A_232 = tpu.memref_slice %arg5[%rem3A_104, %scatter3A_230, %scatter3A_231] : memref<2x8x4096xf32, #tpu.memory_space<vmem>> -> memref<1x8x4096xf32, #tpu.memory_space<vmem>>
          %scatter3A_233 = tpu.memref_squeeze %scatter3A_232 : memref<1x8x4096xf32, #tpu.memory_space<vmem>> -> memref<8x4096xf32, #tpu.memory_space<vmem>>
          tpu.vector_store_idx %scatter3A_233[%select_n3A_225, %add3A_229], %broadcast_in_dim3A_3 masked %lt3A_222 : memref<8x4096xf32, #tpu.memory_space<vmem>>[vector<16xi32>, vector<16xi32>], vector<16xf32>, vector<16xi1>
        }
        %scan3A_182 = arith.constant 256 : i32
      } else {
      }
      %div3A_107 = arith.constant 125 : i32
      %div3A_108 = arith.divsi %add3A_102, %div3A_107 : i32
      %eq3A = arith.constant 0 : i32
      %eq3A_109 = arith.cmpi eq, %rem3A_104, %eq3A : i32
      %select_n3A_110 = arith.select %eq3A_109, %while3A_98, %while3A_99 : i32
      %ne3A = arith.cmpi ne, %div3A_108, %select_n3A_110 : i32
      %convert_element_type3A_111 = arith.extui %ne3A : i1 to i32
      %cond3A_112 = arith.constant 0 : i32
      %cond3A_113 = arith.cmpi ne, %convert_element_type3A_111, %cond3A_112 : i32
      scf.if %cond3A_113 {
        "tpu.region"() ({
          %run_scoped3A = tpu.sem_alloc : memref<!tpu.dma_semaphore, #tpu.memory_space<semaphore_mem>>
          %dma_start3A_150 = arith.constant 0 : i32
          %dma_start3A_151 = tpu.memref_slice %arg4[%rem3A_104, %dma_start3A_150] : memref<2x4096xi32, #tpu.memory_space<vmem>> -> memref<1x4096xi32, #tpu.memory_space<vmem>>
          %dma_start3A_152 = tpu.memref_squeeze %dma_start3A_151 : memref<1x4096xi32, #tpu.memory_space<vmem>> -> memref<4096xi32, #tpu.memory_space<vmem>>
          %dma_start3A_153 = arith.constant 0 : i32
          %dma_start3A_154 = tpu.memref_slice %arg2[%div3A_108, %dma_start3A_153] : memref<26x4096xi32, #tpu.memory_space<hbm>> -> memref<1x4096xi32, #tpu.memory_space<hbm>>
          %dma_start3A_155 = tpu.memref_squeeze %dma_start3A_154 : memref<1x4096xi32, #tpu.memory_space<hbm>> -> memref<4096xi32, #tpu.memory_space<hbm>>
          %dma_start3A_156 = arith.constant 0 : i32
          %dma_start3A_157 = tpu.memref_slice %arg4[%rem3A_104, %dma_start3A_156] : memref<2x4096xi32, #tpu.memory_space<vmem>> -> memref<1x4096xi32, #tpu.memory_space<vmem>>
          %dma_start3A_158 = tpu.memref_squeeze %dma_start3A_157 : memref<1x4096xi32, #tpu.memory_space<vmem>> -> memref<4096xi32, #tpu.memory_space<vmem>>
          %dma_start3A_159 = arith.constant 0 : i32
          %dma_start3A_160 = tpu.memref_slice %arg2[%div3A_108, %dma_start3A_159] : memref<26x4096xi32, #tpu.memory_space<hbm>> -> memref<1x4096xi32, #tpu.memory_space<hbm>>
          %dma_start3A_161 = tpu.memref_squeeze %dma_start3A_160 : memref<1x4096xi32, #tpu.memory_space<hbm>> -> memref<4096xi32, #tpu.memory_space<hbm>>
          tpu.enqueue_dma source(%dma_start3A_161 : memref<4096xi32, #tpu.memory_space<hbm>>) target(%dma_start3A_158 : memref<4096xi32, #tpu.memory_space<vmem>>) target_semaphore(%run_scoped3A : memref<!tpu.dma_semaphore, #tpu.memory_space<semaphore_mem>>)
          %dma_wait3A_162 = arith.constant 0 : i32
          %dma_wait3A_163 = tpu.memref_slice %arg4[%rem3A_104, %dma_wait3A_162] : memref<2x4096xi32, #tpu.memory_space<vmem>> -> memref<1x4096xi32, #tpu.memory_space<vmem>>
          %dma_wait3A_164 = tpu.memref_squeeze %dma_wait3A_163 : memref<1x4096xi32, #tpu.memory_space<vmem>> -> memref<4096xi32, #tpu.memory_space<vmem>>
          %dma_wait3A_165 = arith.constant 0 : i32
          %dma_wait3A_166 = tpu.memref_slice %arg2[%div3A_108, %dma_wait3A_165] : memref<26x4096xi32, #tpu.memory_space<hbm>> -> memref<1x4096xi32, #tpu.memory_space<hbm>>
          %dma_wait3A_167 = tpu.memref_squeeze %dma_wait3A_166 : memref<1x4096xi32, #tpu.memory_space<hbm>> -> memref<4096xi32, #tpu.memory_space<hbm>>
          %dma_wait3A_168 = arith.constant 0 : i32
          %dma_wait3A_169 = tpu.memref_slice %arg4[%rem3A_104, %dma_wait3A_168] : memref<2x4096xi32, #tpu.memory_space<vmem>> -> memref<1x4096xi32, #tpu.memory_space<vmem>>
          %dma_wait3A_170 = tpu.memref_squeeze %dma_wait3A_169 : memref<1x4096xi32, #tpu.memory_space<vmem>> -> memref<4096xi32, #tpu.memory_space<vmem>>
          %dma_wait3A_171 = arith.constant 0 : i32
          %dma_wait3A_172 = tpu.memref_slice %arg2[%div3A_108, %dma_wait3A_171] : memref<26x4096xi32, #tpu.memory_space<hbm>> -> memref<1x4096xi32, #tpu.memory_space<hbm>>
          %dma_wait3A_173 = tpu.memref_squeeze %dma_wait3A_172 : memref<1x4096xi32, #tpu.memory_space<hbm>> -> memref<4096xi32, #tpu.memory_space<hbm>>
          tpu.wait_dma2 semaphore(%run_scoped3A : memref<!tpu.dma_semaphore, #tpu.memory_space<semaphore_mem>>) src(%dma_wait3A_173 : memref<4096xi32, #tpu.memory_space<hbm>>) dst(%dma_wait3A_170 : memref<4096xi32, #tpu.memory_space<vmem>>)
          tpu.yield
        }) : () -> ()
      } else {
      }
      %rem3A_114 = arith.constant 125 : i32
      %rem3A_115 = arith.remsi %add3A_102, %rem3A_114 : i32
      %mul3A_116 = arith.constant 8 : i32
      %mul3A_117 = arith.muli %rem3A_115, %mul3A_116 : i32
      %scan3A_118 = arith.constant 0 : i32
      %scan3A_119 = arith.constant 256 : i32
      %scan3A_120 = arith.addi %scan3A_118, %scan3A_119 : i32
      %scan3A_121 = arith.constant 2 : i32
      scf.for %scan3A_150 = %scan3A_118 to %scan3A_120 step %scan3A_121  : i32 {
        %mul3A_151 = arith.constant 1 : i32
        %mul3A_152 = arith.muli %scan3A_150, %mul3A_151 : i32
        %add3A_153 = arith.constant 0 : i32
        %add3A_154 = arith.addi %add3A_153, %mul3A_152 : i32
        %mul3A_155 = arith.constant 16 : i32
        %mul3A_156 = arith.muli %add3A_154, %mul3A_155 : i32
        %get3A = arith.index_cast %rem3A_104 : i32 to index
        %get3A_157 = arith.index_cast %mul3A_156 : i32 to index
        %get3A_158 = tpu.vector_load %arg4[%get3A, %get3A_157] {strides = array<i32>} : memref<2x4096xi32, #tpu.memory_space<vmem>>, vector<16xi32>,
        %sub3A_159 = vector.broadcast %mul3A_117 : i32 to vector<16xi32>
        %sub3A_160 = arith.subi %get3A_158, %sub3A_159 : vector<16xi32>
        %lt3A_161 = arith.constant 8 : i32
        %lt3A_162 = vector.broadcast %lt3A_161 : i32 to vector<16xi32>
        %lt3A_163 = arith.cmpi ult, %sub3A_160, %lt3A_162 : vector<16xi32>
        %jit3A_164 = arith.constant 0 : i32
        %broadcast_in_dim3A_165 = vector.broadcast %jit3A_164 : i32 to vector<16xi32>
        %select_n3A_166 = arith.select %lt3A_163, %sub3A_160, %broadcast_in_dim3A_165 : vector<16xi1>, vector<16xi32>
        %mul3A_167 = arith.constant 16 : i32
        %mul3A_168 = arith.muli %add3A_154, %mul3A_167 : i32
        %add3A_169 = vector.broadcast %mul3A_168 : i32 to vector<16xi32>
        %add3A_170 = arith.addi %add3A_169, %iota3A : vector<16xi32>
        %scatter3A = arith.constant 0 : i32
        %scatter3A_171 = arith.constant 0 : i32
        %scatter3A_172 = tpu.memref_slice %arg5[%rem3A_104, %scatter3A, %scatter3A_171] : memref<2x8x4096xf32, #tpu.memory_space<vmem>> -> memref<1x8x4096xf32, #tpu.memory_space<vmem>>
        %scatter3A_173 = tpu.memref_squeeze %scatter3A_172 : memref<1x8x4096xf32, #tpu.memory_space<vmem>> -> memref<8x4096xf32, #tpu.memory_space<vmem>>
        tpu.vector_store_idx %scatter3A_173[%select_n3A_166, %add3A_170], %broadcast_in_dim3A_1 masked %lt3A_163 : memref<8x4096xf32, #tpu.memory_space<vmem>>[vector<16xi32>, vector<16xi32>], vector<16xf32>, vector<16xi1>
        %scan3A_174 = arith.constant 1 : i32
        %scan3A_175 = arith.addi %scan3A_150, %scan3A_174 : i32
        %mul3A_176 = arith.constant 1 : i32
        %mul3A_177 = arith.muli %scan3A_175, %mul3A_176 : i32
        %add3A_178 = arith.constant 0 : i32
        %add3A_179 = arith.addi %add3A_178, %mul3A_177 : i32
        %mul3A_180 = arith.constant 16 : i32
        %mul3A_181 = arith.muli %add3A_179, %mul3A_180 : i32
        %get3A_182 = arith.index_cast %rem3A_104 : i32 to index
        %get3A_183 = arith.index_cast %mul3A_181 : i32 to index
        %get3A_184 = tpu.vector_load %arg4[%get3A_182, %get3A_183] {strides = array<i32>} : memref<2x4096xi32, #tpu.memory_space<vmem>>, vector<16xi32>,
        %sub3A_185 = vector.broadcast %mul3A_117 : i32 to vector<16xi32>
        %sub3A_186 = arith.subi %get3A_184, %sub3A_185 : vector<16xi32>
        %lt3A_187 = arith.constant 8 : i32
        %lt3A_188 = vector.broadcast %lt3A_187 : i32 to vector<16xi32>
        %lt3A_189 = arith.cmpi ult, %sub3A_186, %lt3A_188 : vector<16xi32>
        %jit3A_190 = arith.constant 0 : i32
        %broadcast_in_dim3A_191 = vector.broadcast %jit3A_190 : i32 to vector<16xi32>
        %select_n3A_192 = arith.select %lt3A_189, %sub3A_186, %broadcast_in_dim3A_191 : vector<16xi1>, vector<16xi32>
        %mul3A_193 = arith.constant 16 : i32
        %mul3A_194 = arith.muli %add3A_179, %mul3A_193 : i32
        %add3A_195 = vector.broadcast %mul3A_194 : i32 to vector<16xi32>
        %add3A_196 = arith.addi %add3A_195, %iota3A : vector<16xi32>
        %scatter3A_197 = arith.constant 0 : i32
        %scatter3A_198 = arith.constant 0 : i32
        %scatter3A_199 = tpu.memref_slice %arg5[%rem3A_104, %scatter3A_197, %scatter3A_198] : memref<2x8x4096xf32, #tpu.memory_space<vmem>> -> memref<1x8x4096xf32, #tpu.memory_space<vmem>>
        %scatter3A_200 = tpu.memref_squeeze %scatter3A_199 : memref<1x8x4096xf32, #tpu.memory_space<vmem>> -> memref<8x4096xf32, #tpu.memory_space<vmem>>
        tpu.vector_store_idx %scatter3A_200[%select_n3A_192, %add3A_196], %broadcast_in_dim3A_1 masked %lt3A_189 : memref<8x4096xf32, #tpu.memory_space<vmem>>[vector<16xi32>, vector<16xi32>], vector<16xf32>, vector<16xi1>
      }
      %scan3A_122 = arith.constant 256 : i32
      %div3A_123 = arith.constant 125 : i32
      %div3A_124 = arith.divsi %add3A_102, %div3A_123 : i32
      %rem3A_125 = arith.constant 125 : i32
      %rem3A_126 = arith.remsi %add3A_102, %rem3A_125 : i32
      %mul3A_127 = arith.constant 8 : i32
      %mul3A_128 = arith.muli %rem3A_126, %mul3A_127 : i32
      %dma_start3A = arith.constant 0 : i32
      %dma_start3A_129 = arith.constant 0 : i32
      %dma_start3A_130 = tpu.memref_slice %arg5[%rem3A_104, %dma_start3A, %dma_start3A_129] : memref<2x8x4096xf32, #tpu.memory_space<vmem>> -> memref<1x8x4096xf32, #tpu.memory_space<vmem>>
      %dma_start3A_131 = tpu.memref_squeeze %dma_start3A_130 : memref<1x8x4096xf32, #tpu.memory_space<vmem>> -> memref<8x4096xf32, #tpu.memory_space<vmem>>
      %dma_start3A_132 = arith.constant 0 : i32
      %dma_start3A_133 = tpu.memref_slice %arg3[%div3A_124, %mul3A_128, %dma_start3A_132] : memref<26x1000x4096xf32, #tpu.memory_space<hbm>> -> memref<1x8x4096xf32, #tpu.memory_space<hbm>>
      %dma_start3A_134 = tpu.memref_squeeze %dma_start3A_133 : memref<1x8x4096xf32, #tpu.memory_space<hbm>> -> memref<8x4096xf32, #tpu.memory_space<hbm>>
      %dma_start3A_135 = tpu.memref_slice %arg6[%rem3A_104] : memref<2x!tpu.dma_semaphore, #tpu.memory_space<semaphore_mem>> -> memref<1x!tpu.dma_semaphore, #tpu.memory_space<semaphore_mem>>
      %dma_start3A_136 = tpu.memref_squeeze %dma_start3A_135 : memref<1x!tpu.dma_semaphore, #tpu.memory_space<semaphore_mem>> -> memref<!tpu.dma_semaphore, #tpu.memory_space<semaphore_mem>>
      %dma_start3A_137 = arith.constant 0 : i32
      %dma_start3A_138 = tpu.memref_slice %arg3[%div3A_124, %mul3A_128, %dma_start3A_137] : memref<26x1000x4096xf32, #tpu.memory_space<hbm>> -> memref<1x8x4096xf32, #tpu.memory_space<hbm>>
      %dma_start3A_139 = tpu.memref_squeeze %dma_start3A_138 : memref<1x8x4096xf32, #tpu.memory_space<hbm>> -> memref<8x4096xf32, #tpu.memory_space<hbm>>
      %dma_start3A_140 = arith.constant 0 : i32
      %dma_start3A_141 = arith.constant 0 : i32
      %dma_start3A_142 = tpu.memref_slice %arg5[%rem3A_104, %dma_start3A_140, %dma_start3A_141] : memref<2x8x4096xf32, #tpu.memory_space<vmem>> -> memref<1x8x4096xf32, #tpu.memory_space<vmem>>
      %dma_start3A_143 = tpu.memref_squeeze %dma_start3A_142 : memref<1x8x4096xf32, #tpu.memory_space<vmem>> -> memref<8x4096xf32, #tpu.memory_space<vmem>>
      tpu.enqueue_dma source(%dma_start3A_143 : memref<8x4096xf32, #tpu.memory_space<vmem>>) target(%dma_start3A_139 : memref<8x4096xf32, #tpu.memory_space<hbm>>) target_semaphore(%dma_start3A_136 : memref<!tpu.dma_semaphore, #tpu.memory_space<semaphore_mem>>)
      %eq3A_144 = arith.constant 0 : i32
      %eq3A_145 = arith.cmpi eq, %rem3A_104, %eq3A_144 : i32
      %select_n3A_146 = arith.select %eq3A_145, %div3A_108, %while3A_98 : i32
      %eq3A_147 = arith.constant 1 : i32
      %eq3A_148 = arith.cmpi eq, %rem3A_104, %eq3A_147 : i32
      %select_n3A_149 = arith.select %eq3A_148, %div3A_108, %while3A_99 : i32
      scf.yield %select_n3A_146, %select_n3A_149 : i32, i32
    }
    %while3A_39 = arith.constant 1 : i32
    %while3A_40:2 = scf.for %while3A_97 = %while3A_36 to %while3A_32 step %while3A_39 iter_args(%while3A_98 = %while3A_38#0, %while3A_99 = %while3A_38#1) -> (i32, i32)  : i32 {
      %mul3A_100 = arith.muli %while3A_97, %while3A : i32
      %add3A_101 = arith.addi %while3A_27, %mul3A_100 : i32
      %add3A_102 = arith.addi %add3A_7, %add3A_101 : i32
      %rem3A_103 = arith.constant 2 : i32
      %rem3A_104 = arith.remsi %add3A_101, %rem3A_103 : i32
      %ge3A = arith.constant 2 : i32
      %ge3A_105 = arith.cmpi sge, %add3A_101, %ge3A : i32
      %convert_element_type3A = arith.extui %ge3A_105 : i1 to i32
      %cond3A = arith.constant 0 : i32
      %cond3A_106 = arith.cmpi ne, %convert_element_type3A, %cond3A : i32
      scf.if %cond3A_106 {
        %sub3A_150 = arith.constant 2 : i32
        %sub3A_151 = arith.subi %add3A_102, %sub3A_150 : i32
        %div3A_152 = arith.constant 125 : i32
        %div3A_153 = arith.divsi %sub3A_151, %div3A_152 : i32
        %rem3A_154 = arith.constant 125 : i32
        %rem3A_155 = arith.remsi %sub3A_151, %rem3A_154 : i32
        %mul3A_156 = arith.constant 8 : i32
        %mul3A_157 = arith.muli %rem3A_155, %mul3A_156 : i32
        %dma_wait3A_158 = arith.constant 0 : i32
        %dma_wait3A_159 = arith.constant 0 : i32
        %dma_wait3A_160 = tpu.memref_slice %arg5[%rem3A_104, %dma_wait3A_158, %dma_wait3A_159] : memref<2x8x4096xf32, #tpu.memory_space<vmem>> -> memref<1x8x4096xf32, #tpu.memory_space<vmem>>
        %dma_wait3A_161 = tpu.memref_squeeze %dma_wait3A_160 : memref<1x8x4096xf32, #tpu.memory_space<vmem>> -> memref<8x4096xf32, #tpu.memory_space<vmem>>
        %dma_wait3A_162 = arith.constant 0 : i32
        %dma_wait3A_163 = tpu.memref_slice %arg3[%div3A_153, %mul3A_157, %dma_wait3A_162] : memref<26x1000x4096xf32, #tpu.memory_space<hbm>> -> memref<1x8x4096xf32, #tpu.memory_space<hbm>>
        %dma_wait3A_164 = tpu.memref_squeeze %dma_wait3A_163 : memref<1x8x4096xf32, #tpu.memory_space<hbm>> -> memref<8x4096xf32, #tpu.memory_space<hbm>>
        %dma_wait3A_165 = tpu.memref_slice %arg6[%rem3A_104] : memref<2x!tpu.dma_semaphore, #tpu.memory_space<semaphore_mem>> -> memref<1x!tpu.dma_semaphore, #tpu.memory_space<semaphore_mem>>
        %dma_wait3A_166 = tpu.memref_squeeze %dma_wait3A_165 : memref<1x!tpu.dma_semaphore, #tpu.memory_space<semaphore_mem>> -> memref<!tpu.dma_semaphore, #tpu.memory_space<semaphore_mem>>
        %dma_wait3A_167 = arith.constant 0 : i32
        %dma_wait3A_168 = tpu.memref_slice %arg3[%div3A_153, %mul3A_157, %dma_wait3A_167] : memref<26x1000x4096xf32, #tpu.memory_space<hbm>> -> memref<1x8x4096xf32, #tpu.memory_space<hbm>>
        %dma_wait3A_169 = tpu.memref_squeeze %dma_wait3A_168 : memref<1x8x4096xf32, #tpu.memory_space<hbm>> -> memref<8x4096xf32, #tpu.memory_space<hbm>>
        %dma_wait3A_170 = arith.constant 0 : i32
        %dma_wait3A_171 = arith.constant 0 : i32
        %dma_wait3A_172 = tpu.memref_slice %arg5[%rem3A_104, %dma_wait3A_170, %dma_wait3A_171] : memref<2x8x4096xf32, #tpu.memory_space<vmem>> -> memref<1x8x4096xf32, #tpu.memory_space<vmem>>
        %dma_wait3A_173 = tpu.memref_squeeze %dma_wait3A_172 : memref<1x8x4096xf32, #tpu.memory_space<vmem>> -> memref<8x4096xf32, #tpu.memory_space<vmem>>
        tpu.wait_dma2 semaphore(%dma_wait3A_166 : memref<!tpu.dma_semaphore, #tpu.memory_space<semaphore_mem>>) src(%dma_wait3A_173 : memref<8x4096xf32, #tpu.memory_space<vmem>>) dst(%dma_wait3A_169 : memref<8x4096xf32, #tpu.memory_space<hbm>>)
        %rem3A_174 = arith.constant 125 : i32
        %rem3A_175 = arith.remsi %sub3A_151, %rem3A_174 : i32
        %mul3A_176 = arith.constant 8 : i32
        %mul3A_177 = arith.muli %rem3A_175, %mul3A_176 : i32
        %scan3A_178 = arith.constant 0 : i32
        %scan3A_179 = arith.constant 256 : i32
        %scan3A_180 = arith.addi %scan3A_178, %scan3A_179 : i32
        %scan3A_181 = arith.constant 2 : i32
        scf.for %scan3A_183 = %scan3A_178 to %scan3A_180 step %scan3A_181  : i32 {
          %mul3A_184 = arith.constant 1 : i32
          %mul3A_185 = arith.muli %scan3A_183, %mul3A_184 : i32
          %add3A_186 = arith.constant 0 : i32
          %add3A_187 = arith.addi %add3A_186, %mul3A_185 : i32
          %mul3A_188 = arith.constant 16 : i32
          %mul3A_189 = arith.muli %add3A_187, %mul3A_188 : i32
          %get3A = arith.index_cast %rem3A_104 : i32 to index
          %get3A_190 = arith.index_cast %mul3A_189 : i32 to index
          %get3A_191 = tpu.vector_load %arg4[%get3A, %get3A_190] {strides = array<i32>} : memref<2x4096xi32, #tpu.memory_space<vmem>>, vector<16xi32>,
          %sub3A_192 = vector.broadcast %mul3A_177 : i32 to vector<16xi32>
          %sub3A_193 = arith.subi %get3A_191, %sub3A_192 : vector<16xi32>
          %lt3A_194 = arith.constant 8 : i32
          %lt3A_195 = vector.broadcast %lt3A_194 : i32 to vector<16xi32>
          %lt3A_196 = arith.cmpi ult, %sub3A_193, %lt3A_195 : vector<16xi32>
          %jit3A_197 = arith.constant 0 : i32
          %broadcast_in_dim3A_198 = vector.broadcast %jit3A_197 : i32 to vector<16xi32>
          %select_n3A_199 = arith.select %lt3A_196, %sub3A_193, %broadcast_in_dim3A_198 : vector<16xi1>, vector<16xi32>
          %mul3A_200 = arith.constant 16 : i32
          %mul3A_201 = arith.muli %add3A_187, %mul3A_200 : i32
          %add3A_202 = vector.broadcast %mul3A_201 : i32 to vector<16xi32>
          %add3A_203 = arith.addi %add3A_202, %iota3A : vector<16xi32>
          %scatter3A = arith.constant 0 : i32
          %scatter3A_204 = arith.constant 0 : i32
          %scatter3A_205 = tpu.memref_slice %arg5[%rem3A_104, %scatter3A, %scatter3A_204] : memref<2x8x4096xf32, #tpu.memory_space<vmem>> -> memref<1x8x4096xf32, #tpu.memory_space<vmem>>
          %scatter3A_206 = tpu.memref_squeeze %scatter3A_205 : memref<1x8x4096xf32, #tpu.memory_space<vmem>> -> memref<8x4096xf32, #tpu.memory_space<vmem>>
          tpu.vector_store_idx %scatter3A_206[%select_n3A_199, %add3A_203], %broadcast_in_dim3A_3 masked %lt3A_196 : memref<8x4096xf32, #tpu.memory_space<vmem>>[vector<16xi32>, vector<16xi32>], vector<16xf32>, vector<16xi1>
          %scan3A_207 = arith.constant 1 : i32
          %scan3A_208 = arith.addi %scan3A_183, %scan3A_207 : i32
          %mul3A_209 = arith.constant 1 : i32
          %mul3A_210 = arith.muli %scan3A_208, %mul3A_209 : i32
          %add3A_211 = arith.constant 0 : i32
          %add3A_212 = arith.addi %add3A_211, %mul3A_210 : i32
          %mul3A_213 = arith.constant 16 : i32
          %mul3A_214 = arith.muli %add3A_212, %mul3A_213 : i32
          %get3A_215 = arith.index_cast %rem3A_104 : i32 to index
          %get3A_216 = arith.index_cast %mul3A_214 : i32 to index
          %get3A_217 = tpu.vector_load %arg4[%get3A_215, %get3A_216] {strides = array<i32>} : memref<2x4096xi32, #tpu.memory_space<vmem>>, vector<16xi32>,
          %sub3A_218 = vector.broadcast %mul3A_177 : i32 to vector<16xi32>
          %sub3A_219 = arith.subi %get3A_217, %sub3A_218 : vector<16xi32>
          %lt3A_220 = arith.constant 8 : i32
          %lt3A_221 = vector.broadcast %lt3A_220 : i32 to vector<16xi32>
          %lt3A_222 = arith.cmpi ult, %sub3A_219, %lt3A_221 : vector<16xi32>
          %jit3A_223 = arith.constant 0 : i32
          %broadcast_in_dim3A_224 = vector.broadcast %jit3A_223 : i32 to vector<16xi32>
          %select_n3A_225 = arith.select %lt3A_222, %sub3A_219, %broadcast_in_dim3A_224 : vector<16xi1>, vector<16xi32>
          %mul3A_226 = arith.constant 16 : i32
          %mul3A_227 = arith.muli %add3A_212, %mul3A_226 : i32
          %add3A_228 = vector.broadcast %mul3A_227 : i32 to vector<16xi32>
          %add3A_229 = arith.addi %add3A_228, %iota3A : vector<16xi32>
          %scatter3A_230 = arith.constant 0 : i32
          %scatter3A_231 = arith.constant 0 : i32
          %scatter3A_232 = tpu.memref_slice %arg5[%rem3A_104, %scatter3A_230, %scatter3A_231] : memref<2x8x4096xf32, #tpu.memory_space<vmem>> -> memref<1x8x4096xf32, #tpu.memory_space<vmem>>
          %scatter3A_233 = tpu.memref_squeeze %scatter3A_232 : memref<1x8x4096xf32, #tpu.memory_space<vmem>> -> memref<8x4096xf32, #tpu.memory_space<vmem>>
          tpu.vector_store_idx %scatter3A_233[%select_n3A_225, %add3A_229], %broadcast_in_dim3A_3 masked %lt3A_222 : memref<8x4096xf32, #tpu.memory_space<vmem>>[vector<16xi32>, vector<16xi32>], vector<16xf32>, vector<16xi1>
        }
        %scan3A_182 = arith.constant 256 : i32
      } else {
      }
      %div3A_107 = arith.constant 125 : i32
      %div3A_108 = arith.divsi %add3A_102, %div3A_107 : i32
      %eq3A = arith.constant 0 : i32
      %eq3A_109 = arith.cmpi eq, %rem3A_104, %eq3A : i32
      %select_n3A_110 = arith.select %eq3A_109, %while3A_98, %while3A_99 : i32
      %ne3A = arith.cmpi ne, %div3A_108, %select_n3A_110 : i32
      %convert_element_type3A_111 = arith.extui %ne3A : i1 to i32
      %cond3A_112 = arith.constant 0 : i32
      %cond3A_113 = arith.cmpi ne, %convert_element_type3A_111, %cond3A_112 : i32
      scf.if %cond3A_113 {
        "tpu.region"() ({
          %run_scoped3A = tpu.sem_alloc : memref<!tpu.dma_semaphore, #tpu.memory_space<semaphore_mem>>
          %dma_start3A_150 = arith.constant 0 : i32
          %dma_start3A_151 = tpu.memref_slice %arg4[%rem3A_104, %dma_start3A_150] : memref<2x4096xi32, #tpu.memory_space<vmem>> -> memref<1x4096xi32, #tpu.memory_space<vmem>>
          %dma_start3A_152 = tpu.memref_squeeze %dma_start3A_151 : memref<1x4096xi32, #tpu.memory_space<vmem>> -> memref<4096xi32, #tpu.memory_space<vmem>>
          %dma_start3A_153 = arith.constant 0 : i32
          %dma_start3A_154 = tpu.memref_slice %arg2[%div3A_108, %dma_start3A_153] : memref<26x4096xi32, #tpu.memory_space<hbm>> -> memref<1x4096xi32, #tpu.memory_space<hbm>>
          %dma_start3A_155 = tpu.memref_squeeze %dma_start3A_154 : memref<1x4096xi32, #tpu.memory_space<hbm>> -> memref<4096xi32, #tpu.memory_space<hbm>>
          %dma_start3A_156 = arith.constant 0 : i32
          %dma_start3A_157 = tpu.memref_slice %arg4[%rem3A_104, %dma_start3A_156] : memref<2x4096xi32, #tpu.memory_space<vmem>> -> memref<1x4096xi32, #tpu.memory_space<vmem>>
          %dma_start3A_158 = tpu.memref_squeeze %dma_start3A_157 : memref<1x4096xi32, #tpu.memory_space<vmem>> -> memref<4096xi32, #tpu.memory_space<vmem>>
          %dma_start3A_159 = arith.constant 0 : i32
          %dma_start3A_160 = tpu.memref_slice %arg2[%div3A_108, %dma_start3A_159] : memref<26x4096xi32, #tpu.memory_space<hbm>> -> memref<1x4096xi32, #tpu.memory_space<hbm>>
          %dma_start3A_161 = tpu.memref_squeeze %dma_start3A_160 : memref<1x4096xi32, #tpu.memory_space<hbm>> -> memref<4096xi32, #tpu.memory_space<hbm>>
          tpu.enqueue_dma source(%dma_start3A_161 : memref<4096xi32, #tpu.memory_space<hbm>>) target(%dma_start3A_158 : memref<4096xi32, #tpu.memory_space<vmem>>) target_semaphore(%run_scoped3A : memref<!tpu.dma_semaphore, #tpu.memory_space<semaphore_mem>>)
          %dma_wait3A_162 = arith.constant 0 : i32
          %dma_wait3A_163 = tpu.memref_slice %arg4[%rem3A_104, %dma_wait3A_162] : memref<2x4096xi32, #tpu.memory_space<vmem>> -> memref<1x4096xi32, #tpu.memory_space<vmem>>
          %dma_wait3A_164 = tpu.memref_squeeze %dma_wait3A_163 : memref<1x4096xi32, #tpu.memory_space<vmem>> -> memref<4096xi32, #tpu.memory_space<vmem>>
          %dma_wait3A_165 = arith.constant 0 : i32
          %dma_wait3A_166 = tpu.memref_slice %arg2[%div3A_108, %dma_wait3A_165] : memref<26x4096xi32, #tpu.memory_space<hbm>> -> memref<1x4096xi32, #tpu.memory_space<hbm>>
          %dma_wait3A_167 = tpu.memref_squeeze %dma_wait3A_166 : memref<1x4096xi32, #tpu.memory_space<hbm>> -> memref<4096xi32, #tpu.memory_space<hbm>>
          %dma_wait3A_168 = arith.constant 0 : i32
          %dma_wait3A_169 = tpu.memref_slice %arg4[%rem3A_104, %dma_wait3A_168] : memref<2x4096xi32, #tpu.memory_space<vmem>> -> memref<1x4096xi32, #tpu.memory_space<vmem>>
          %dma_wait3A_170 = tpu.memref_squeeze %dma_wait3A_169 : memref<1x4096xi32, #tpu.memory_space<vmem>> -> memref<4096xi32, #tpu.memory_space<vmem>>
          %dma_wait3A_171 = arith.constant 0 : i32
          %dma_wait3A_172 = tpu.memref_slice %arg2[%div3A_108, %dma_wait3A_171] : memref<26x4096xi32, #tpu.memory_space<hbm>> -> memref<1x4096xi32, #tpu.memory_space<hbm>>
          %dma_wait3A_173 = tpu.memref_squeeze %dma_wait3A_172 : memref<1x4096xi32, #tpu.memory_space<hbm>> -> memref<4096xi32, #tpu.memory_space<hbm>>
          tpu.wait_dma2 semaphore(%run_scoped3A : memref<!tpu.dma_semaphore, #tpu.memory_space<semaphore_mem>>) src(%dma_wait3A_173 : memref<4096xi32, #tpu.memory_space<hbm>>) dst(%dma_wait3A_170 : memref<4096xi32, #tpu.memory_space<vmem>>)
          tpu.yield
        }) : () -> ()
      } else {
      }
      %rem3A_114 = arith.constant 125 : i32
      %rem3A_115 = arith.remsi %add3A_102, %rem3A_114 : i32
      %mul3A_116 = arith.constant 8 : i32
      %mul3A_117 = arith.muli %rem3A_115, %mul3A_116 : i32
      %scan3A_118 = arith.constant 0 : i32
      %scan3A_119 = arith.constant 256 : i32
      %scan3A_120 = arith.addi %scan3A_118, %scan3A_119 : i32
      %scan3A_121 = arith.constant 2 : i32
      scf.for %scan3A_150 = %scan3A_118 to %scan3A_120 step %scan3A_121  : i32 {
        %mul3A_151 = arith.constant 1 : i32
        %mul3A_152 = arith.muli %scan3A_150, %mul3A_151 : i32
        %add3A_153 = arith.constant 0 : i32
        %add3A_154 = arith.addi %add3A_153, %mul3A_152 : i32
        %mul3A_155 = arith.constant 16 : i32
        %mul3A_156 = arith.muli %add3A_154, %mul3A_155 : i32
        %get3A = arith.index_cast %rem3A_104 : i32 to index
        %get3A_157 = arith.index_cast %mul3A_156 : i32 to index
        %get3A_158 = tpu.vector_load %arg4[%get3A, %get3A_157] {strides = array<i32>} : memref<2x4096xi32, #tpu.memory_space<vmem>>, vector<16xi32>,
        %sub3A_159 = vector.broadcast %mul3A_117 : i32 to vector<16xi32>
        %sub3A_160 = arith.subi %get3A_158, %sub3A_159 : vector<16xi32>
        %lt3A_161 = arith.constant 8 : i32
        %lt3A_162 = vector.broadcast %lt3A_161 : i32 to vector<16xi32>
        %lt3A_163 = arith.cmpi ult, %sub3A_160, %lt3A_162 : vector<16xi32>
        %jit3A_164 = arith.constant 0 : i32
        %broadcast_in_dim3A_165 = vector.broadcast %jit3A_164 : i32 to vector<16xi32>
        %select_n3A_166 = arith.select %lt3A_163, %sub3A_160, %broadcast_in_dim3A_165 : vector<16xi1>, vector<16xi32>
        %mul3A_167 = arith.constant 16 : i32
        %mul3A_168 = arith.muli %add3A_154, %mul3A_167 : i32
        %add3A_169 = vector.broadcast %mul3A_168 : i32 to vector<16xi32>
        %add3A_170 = arith.addi %add3A_169, %iota3A : vector<16xi32>
        %scatter3A = arith.constant 0 : i32
        %scatter3A_171 = arith.constant 0 : i32
        %scatter3A_172 = tpu.memref_slice %arg5[%rem3A_104, %scatter3A, %scatter3A_171] : memref<2x8x4096xf32, #tpu.memory_space<vmem>> -> memref<1x8x4096xf32, #tpu.memory_space<vmem>>
        %scatter3A_173 = tpu.memref_squeeze %scatter3A_172 : memref<1x8x4096xf32, #tpu.memory_space<vmem>> -> memref<8x4096xf32, #tpu.memory_space<vmem>>
        tpu.vector_store_idx %scatter3A_173[%select_n3A_166, %add3A_170], %broadcast_in_dim3A_1 masked %lt3A_163 : memref<8x4096xf32, #tpu.memory_space<vmem>>[vector<16xi32>, vector<16xi32>], vector<16xf32>, vector<16xi1>
        %scan3A_174 = arith.constant 1 : i32
        %scan3A_175 = arith.addi %scan3A_150, %scan3A_174 : i32
        %mul3A_176 = arith.constant 1 : i32
        %mul3A_177 = arith.muli %scan3A_175, %mul3A_176 : i32
        %add3A_178 = arith.constant 0 : i32
        %add3A_179 = arith.addi %add3A_178, %mul3A_177 : i32
        %mul3A_180 = arith.constant 16 : i32
        %mul3A_181 = arith.muli %add3A_179, %mul3A_180 : i32
        %get3A_182 = arith.index_cast %rem3A_104 : i32 to index
        %get3A_183 = arith.index_cast %mul3A_181 : i32 to index
        %get3A_184 = tpu.vector_load %arg4[%get3A_182, %get3A_183] {strides = array<i32>} : memref<2x4096xi32, #tpu.memory_space<vmem>>, vector<16xi32>,
        %sub3A_185 = vector.broadcast %mul3A_117 : i32 to vector<16xi32>
        %sub3A_186 = arith.subi %get3A_184, %sub3A_185 : vector<16xi32>
        %lt3A_187 = arith.constant 8 : i32
        %lt3A_188 = vector.broadcast %lt3A_187 : i32 to vector<16xi32>
        %lt3A_189 = arith.cmpi ult, %sub3A_186, %lt3A_188 : vector<16xi32>
        %jit3A_190 = arith.constant 0 : i32
        %broadcast_in_dim3A_191 = vector.broadcast %jit3A_190 : i32 to vector<16xi32>
        %select_n3A_192 = arith.select %lt3A_189, %sub3A_186, %broadcast_in_dim3A_191 : vector<16xi1>, vector<16xi32>
        %mul3A_193 = arith.constant 16 : i32
        %mul3A_194 = arith.muli %add3A_179, %mul3A_193 : i32
        %add3A_195 = vector.broadcast %mul3A_194 : i32 to vector<16xi32>
        %add3A_196 = arith.addi %add3A_195, %iota3A : vector<16xi32>
        %scatter3A_197 = arith.constant 0 : i32
        %scatter3A_198 = arith.constant 0 : i32
        %scatter3A_199 = tpu.memref_slice %arg5[%rem3A_104, %scatter3A_197, %scatter3A_198] : memref<2x8x4096xf32, #tpu.memory_space<vmem>> -> memref<1x8x4096xf32, #tpu.memory_space<vmem>>
        %scatter3A_200 = tpu.memref_squeeze %scatter3A_199 : memref<1x8x4096xf32, #tpu.memory_space<vmem>> -> memref<8x4096xf32, #tpu.memory_space<vmem>>
        tpu.vector_store_idx %scatter3A_200[%select_n3A_192, %add3A_196], %broadcast_in_dim3A_1 masked %lt3A_189 : memref<8x4096xf32, #tpu.memory_space<vmem>>[vector<16xi32>, vector<16xi32>], vector<16xf32>, vector<16xi1>
      }
      %scan3A_122 = arith.constant 256 : i32
      %div3A_123 = arith.constant 125 : i32
      %div3A_124 = arith.divsi %add3A_102, %div3A_123 : i32
      %rem3A_125 = arith.constant 125 : i32
      %rem3A_126 = arith.remsi %add3A_102, %rem3A_125 : i32
      %mul3A_127 = arith.constant 8 : i32
      %mul3A_128 = arith.muli %rem3A_126, %mul3A_127 : i32
      %dma_start3A = arith.constant 0 : i32
      %dma_start3A_129 = arith.constant 0 : i32
      %dma_start3A_130 = tpu.memref_slice %arg5[%rem3A_104, %dma_start3A, %dma_start3A_129] : memref<2x8x4096xf32, #tpu.memory_space<vmem>> -> memref<1x8x4096xf32, #tpu.memory_space<vmem>>
      %dma_start3A_131 = tpu.memref_squeeze %dma_start3A_130 : memref<1x8x4096xf32, #tpu.memory_space<vmem>> -> memref<8x4096xf32, #tpu.memory_space<vmem>>
      %dma_start3A_132 = arith.constant 0 : i32
      %dma_start3A_133 = tpu.memref_slice %arg3[%div3A_124, %mul3A_128, %dma_start3A_132] : memref<26x1000x4096xf32, #tpu.memory_space<hbm>> -> memref<1x8x4096xf32, #tpu.memory_space<hbm>>
      %dma_start3A_134 = tpu.memref_squeeze %dma_start3A_133 : memref<1x8x4096xf32, #tpu.memory_space<hbm>> -> memref<8x4096xf32, #tpu.memory_space<hbm>>
      %dma_start3A_135 = tpu.memref_slice %arg6[%rem3A_104] : memref<2x!tpu.dma_semaphore, #tpu.memory_space<semaphore_mem>> -> memref<1x!tpu.dma_semaphore, #tpu.memory_space<semaphore_mem>>
      %dma_start3A_136 = tpu.memref_squeeze %dma_start3A_135 : memref<1x!tpu.dma_semaphore, #tpu.memory_space<semaphore_mem>> -> memref<!tpu.dma_semaphore, #tpu.memory_space<semaphore_mem>>
      %dma_start3A_137 = arith.constant 0 : i32
      %dma_start3A_138 = tpu.memref_slice %arg3[%div3A_124, %mul3A_128, %dma_start3A_137] : memref<26x1000x4096xf32, #tpu.memory_space<hbm>> -> memref<1x8x4096xf32, #tpu.memory_space<hbm>>
      %dma_start3A_139 = tpu.memref_squeeze %dma_start3A_138 : memref<1x8x4096xf32, #tpu.memory_space<hbm>> -> memref<8x4096xf32, #tpu.memory_space<hbm>>
      %dma_start3A_140 = arith.constant 0 : i32
      %dma_start3A_141 = arith.constant 0 : i32
      %dma_start3A_142 = tpu.memref_slice %arg5[%rem3A_104, %dma_start3A_140, %dma_start3A_141] : memref<2x8x4096xf32, #tpu.memory_space<vmem>> -> memref<1x8x4096xf32, #tpu.memory_space<vmem>>
      %dma_start3A_143 = tpu.memref_squeeze %dma_start3A_142 : memref<1x8x4096xf32, #tpu.memory_space<vmem>> -> memref<8x4096xf32, #tpu.memory_space<vmem>>
      tpu.enqueue_dma source(%dma_start3A_143 : memref<8x4096xf32, #tpu.memory_space<vmem>>) target(%dma_start3A_139 : memref<8x4096xf32, #tpu.memory_space<hbm>>) target_semaphore(%dma_start3A_136 : memref<!tpu.dma_semaphore, #tpu.memory_space<semaphore_mem>>)
      %eq3A_144 = arith.constant 0 : i32
      %eq3A_145 = arith.cmpi eq, %rem3A_104, %eq3A_144 : i32
      %select_n3A_146 = arith.select %eq3A_145, %div3A_108, %while3A_98 : i32
      %eq3A_147 = arith.constant 1 : i32
      %eq3A_148 = arith.cmpi eq, %rem3A_104, %eq3A_147 : i32
      %select_n3A_149 = arith.select %eq3A_148, %div3A_108, %while3A_99 : i32
      scf.yield %select_n3A_146, %select_n3A_149 : i32, i32
    }
    %sub3A_41 = arith.constant 2 : i32
    %sub3A_42 = arith.subi %add3A_11, %sub3A_41 : i32
    %add3A_43 = arith.constant 0 : i32
    %add3A_44 = arith.addi %sub3A_42, %add3A_43 : i32
    %add3A_45 = arith.addi %add3A_7, %add3A_44 : i32
    %rem3A = arith.constant 2 : i32
    %rem3A_46 = arith.remsi %add3A_44, %rem3A : i32
    %div3A_47 = arith.constant 125 : i32
    %div3A_48 = arith.divsi %add3A_45, %div3A_47 : i32
    %rem3A_49 = arith.constant 125 : i32
    %rem3A_50 = arith.remsi %add3A_45, %rem3A_49 : i32
    %mul3A_51 = arith.constant 8 : i32
    %mul3A_52 = arith.muli %rem3A_50, %mul3A_51 : i32
    %dma_wait3A = arith.constant 0 : i32
    %dma_wait3A_53 = arith.constant 0 : i32
    %dma_wait3A_54 = tpu.memref_slice %arg5[%rem3A_46, %dma_wait3A, %dma_wait3A_53] : memref<2x8x4096xf32, #tpu.memory_space<vmem>> -> memref<1x8x4096xf32, #tpu.memory_space<vmem>>
    %dma_wait3A_55 = tpu.memref_squeeze %dma_wait3A_54 : memref<1x8x4096xf32, #tpu.memory_space<vmem>> -> memref<8x4096xf32, #tpu.memory_space<vmem>>
    %dma_wait3A_56 = arith.constant 0 : i32
    %dma_wait3A_57 = tpu.memref_slice %arg3[%div3A_48, %mul3A_52, %dma_wait3A_56] : memref<26x1000x4096xf32, #tpu.memory_space<hbm>> -> memref<1x8x4096xf32, #tpu.memory_space<hbm>>
    %dma_wait3A_58 = tpu.memref_squeeze %dma_wait3A_57 : memref<1x8x4096xf32, #tpu.memory_space<hbm>> -> memref<8x4096xf32, #tpu.memory_space<hbm>>
    %dma_wait3A_59 = tpu.memref_slice %arg6[%rem3A_46] : memref<2x!tpu.dma_semaphore, #tpu.memory_space<semaphore_mem>> -> memref<1x!tpu.dma_semaphore, #tpu.memory_space<semaphore_mem>>
    %dma_wait3A_60 = tpu.memref_squeeze %dma_wait3A_59 : memref<1x!tpu.dma_semaphore, #tpu.memory_space<semaphore_mem>> -> memref<!tpu.dma_semaphore, #tpu.memory_space<semaphore_mem>>
    %dma_wait3A_61 = arith.constant 0 : i32
    %dma_wait3A_62 = tpu.memref_slice %arg3[%div3A_48, %mul3A_52, %dma_wait3A_61] : memref<26x1000x4096xf32, #tpu.memory_space<hbm>> -> memref<1x8x4096xf32, #tpu.memory_space<hbm>>
    %dma_wait3A_63 = tpu.memref_squeeze %dma_wait3A_62 : memref<1x8x4096xf32, #tpu.memory_space<hbm>> -> memref<8x4096xf32, #tpu.memory_space<hbm>>
    %dma_wait3A_64 = arith.constant 0 : i32
    %dma_wait3A_65 = arith.constant 0 : i32
    %dma_wait3A_66 = tpu.memref_slice %arg5[%rem3A_46, %dma_wait3A_64, %dma_wait3A_65] : memref<2x8x4096xf32, #tpu.memory_space<vmem>> -> memref<1x8x4096xf32, #tpu.memory_space<vmem>>
    %dma_wait3A_67 = tpu.memref_squeeze %dma_wait3A_66 : memref<1x8x4096xf32, #tpu.memory_space<vmem>> -> memref<8x4096xf32, #tpu.memory_space<vmem>>
    tpu.wait_dma2 semaphore(%dma_wait3A_60 : memref<!tpu.dma_semaphore, #tpu.memory_space<semaphore_mem>>) src(%dma_wait3A_67 : memref<8x4096xf32, #tpu.memory_space<vmem>>) dst(%dma_wait3A_63 : memref<8x4096xf32, #tpu.memory_space<hbm>>)
    %sub3A_68 = arith.constant 2 : i32
    %sub3A_69 = arith.subi %add3A_11, %sub3A_68 : i32
    %add3A_70 = arith.constant 1 : i32
    %add3A_71 = arith.addi %sub3A_69, %add3A_70 : i32
    %add3A_72 = arith.addi %add3A_7, %add3A_71 : i32
    %rem3A_73 = arith.constant 2 : i32
    %rem3A_74 = arith.remsi %add3A_71, %rem3A_73 : i32
    %div3A_75 = arith.constant 125 : i32
    %div3A_76 = arith.divsi %add3A_72, %div3A_75 : i32
    %rem3A_77 = arith.constant 125 : i32
    %rem3A_78 = arith.remsi %add3A_72, %rem3A_77 : i32
    %mul3A_79 = arith.constant 8 : i32
    %mul3A_80 = arith.muli %rem3A_78, %mul3A_79 : i32
    %dma_wait3A_81 = arith.constant 0 : i32
    %dma_wait3A_82 = arith.constant 0 : i32
    %dma_wait3A_83 = tpu.memref_slice %arg5[%rem3A_74, %dma_wait3A_81, %dma_wait3A_82] : memref<2x8x4096xf32, #tpu.memory_space<vmem>> -> memref<1x8x4096xf32, #tpu.memory_space<vmem>>
    %dma_wait3A_84 = tpu.memref_squeeze %dma_wait3A_83 : memref<1x8x4096xf32, #tpu.memory_space<vmem>> -> memref<8x4096xf32, #tpu.memory_space<vmem>>
    %dma_wait3A_85 = arith.constant 0 : i32
    %dma_wait3A_86 = tpu.memref_slice %arg3[%div3A_76, %mul3A_80, %dma_wait3A_85] : memref<26x1000x4096xf32, #tpu.memory_space<hbm>> -> memref<1x8x4096xf32, #tpu.memory_space<hbm>>
    %dma_wait3A_87 = tpu.memref_squeeze %dma_wait3A_86 : memref<1x8x4096xf32, #tpu.memory_space<hbm>> -> memref<8x4096xf32, #tpu.memory_space<hbm>>
    %dma_wait3A_88 = tpu.memref_slice %arg6[%rem3A_74] : memref<2x!tpu.dma_semaphore, #tpu.memory_space<semaphore_mem>> -> memref<1x!tpu.dma_semaphore, #tpu.memory_space<semaphore_mem>>
    %dma_wait3A_89 = tpu.memref_squeeze %dma_wait3A_88 : memref<1x!tpu.dma_semaphore, #tpu.memory_space<semaphore_mem>> -> memref<!tpu.dma_semaphore, #tpu.memory_space<semaphore_mem>>
    %dma_wait3A_90 = arith.constant 0 : i32
    %dma_wait3A_91 = tpu.memref_slice %arg3[%div3A_76, %mul3A_80, %dma_wait3A_90] : memref<26x1000x4096xf32, #tpu.memory_space<hbm>> -> memref<1x8x4096xf32, #tpu.memory_space<hbm>>
    %dma_wait3A_92 = tpu.memref_squeeze %dma_wait3A_91 : memref<1x8x4096xf32, #tpu.memory_space<hbm>> -> memref<8x4096xf32, #tpu.memory_space<hbm>>
    %dma_wait3A_93 = arith.constant 0 : i32
    %dma_wait3A_94 = arith.constant 0 : i32
    %dma_wait3A_95 = tpu.memref_slice %arg5[%rem3A_74, %dma_wait3A_93, %dma_wait3A_94] : memref<2x8x4096xf32, #tpu.memory_space<vmem>> -> memref<1x8x4096xf32, #tpu.memory_space<vmem>>
    %dma_wait3A_96 = tpu.memref_squeeze %dma_wait3A_95 : memref<1x8x4096xf32, #tpu.memory_space<vmem>> -> memref<8x4096xf32, #tpu.memory_space<vmem>>
    tpu.wait_dma2 semaphore(%dma_wait3A_89 : memref<!tpu.dma_semaphore, #tpu.memory_space<semaphore_mem>>) src(%dma_wait3A_96 : memref<8x4096xf32, #tpu.memory_space<vmem>>) dst(%dma_wait3A_92 : memref<8x4096xf32, #tpu.memory_space<hbm>>)
    return
  }
}

</mosaic_0001>

<sc_bundles>
// kernel: kernel.3.cloned.1.call-start
scs
__scs_entry_jumppad:
0x0: {  	(pc) =	sbr.rel $0x88, $3  }
0x1: {  	(tag) =	ssettag $0x0;
	lr =	simm.s32 $0x1  }
0x2: {  	[smem:$0x3FA0] =	sst lr;
	_ =	strace $0xD0000000  }
0x3: {  	_ = 	snop  }
0x4: {  	_ = 	snop  }
0x5: {  	_ = 	snop  }
0x6: {  	_ = 	snop  }
0x7: {  	_ = 	snop  }
__scs_overlays_trampoline_lowered:
0x8: {  	[smem:$0x3FAF] =	sst s0  }
0x9: {  	[smem:$0x3FB0] =	sst s1  }
0xa: {  	[smem:$0x3FB1] =	sst s2  }
0xb: {  	[smem:$0x3FB2] =	sst s3  }
0xc: {  	[smem:$0x3FB3] =	sst s4  }
0xd: {  	[smem:$0x3FB4] =	sst s5  }
0xe: {  	[smem:$0x3FB5] =	sst s6  }
0xf: {  	[smem:$0x3FB6] =	sst s7  }
0x10: {  	[smem:$0x3FB7] =	sst s8  }
0x11: {  	[smem:$0x3FB8] =	sst s9;
	s0 =	simm.s32 @!p0 $0x0  }
0x12: {  	s1 =	sld [smem:$0x3F9E];
	s0 =	simm.s32 @p0 $0x1  }
0x13: {  	[smem:$0x3FB9] =	sst s0;
	s0 =	simm.s32 @!p1 $0x0  }
0x14: {  	s2 =	sld [smem:$0x3F9D];
	s0 =	simm.s32 @p1 $0x1  }
0x15: {  	[smem:$0x3FBA] =	sst s0;
	s0 =	simm.s32 @!p2 $0x0  }
0x16: {  	s3 =	sld [smem:$0x3FDB];
	s0 =	simm.s32 @p2 $0x1  }
0x17: {  	s4 =	simm.s32 $0x1BF5;
	[smem:$0x3FBC] =	sst s0  }
0x18: {  	s0 =	sld [smem:$0x3F9F];
	_ =	swait.ge [sflag:s4], $0x0  }
0x19: {  	s7 =	sld [smem:$0x3FA0]  }
0x1a: {  	s8 =	sadd.s32 $0xFFFFE003, lr  }
0x1b: {  	s9 =	sadd.s32 $0xFFFFFEF7, lr;
	s5 =	simm.s32 $0xFFFFFFFF;
	p2 =	slt.u32 s8, $0xFFFFF086  }
0x1c: {  	p1 =	slt.u32 s9, $0xF7A;
	s5 =	simm.s32 @!p2 $0x0  }
0x1d: {  	s5 =	simm.s32 @p1 $0x1;
	p0 =	seq.s32 s7, s2  }
0x1e: {  	s7 =	smul.u32 @!p0 $0xF7A, s2;
	p2 =	seq.s32 @!p0 s5, $0x0  }
0x1f: {  	s9 =	smul.u32 $0xF7A, s1;
	s8 =	simm.s32 @!p0 $0x1BF5;
	p2 =	por !p2, p0  }
0x20: {  	[sflag:s8] =	ssyncset.s32 @!p0 $0xFFFFF086;
	s6 =	sadd.s32 @!p0 s3, s7;
	s7 =	simm.s32 @!p0 $0x108  }
0x21: {  	s3 =	sadd.s32 s3, s9;
	s6 =	sadd.s32 @!p0 $0x88, s6;
	s7 =	simm.s32 @p2 $0x1082  }
0x22: {  	[simem:s7], [sflag:s8] =	dma.local @!p0 [hbm:s6], $0xF7A  }
0x23: {  	s9 =	sor.u32 $0xD0000000, s2;
	s6 =	simm.s32 $0x108;
	_ =	swait.ge @!p0 [sflag:s8], $0x0  }
0x24: {  	s3 =	sadd.s32 $0x88, s3;
	s6 =	simm.s32 @!p1 $0x1082;
	[sflag:s4] =	ssyncset.s32 $0xFFFFF086  }
0x25: {  	[simem:s6], [sflag:s4] =	dma.local [hbm:s3], $0xF7A  }
0x26: {  	[smem:$0x3FA0] =	sst s1;
	(tag) =	ssettag s2;
	_ =	strace s9  }
0x27: {  	s1 =	sld [smem:$0x3FB0]  }
0x28: {  	s2 =	sld [smem:$0x3FB1]  }
0x29: {  	s4 =	sld [smem:$0x3FB3]  }
0x2a: {  	p0 =	seq.s32 s5, $0x0;
	s5 =	sld [smem:$0x3FB4]  }
0x2b: {  	s6 =	sld [smem:$0x3FB5]  }
0x2c: {  	s7 =	sld [smem:$0x3FB6]  }
0x2d: {  	s3 =	simm.s32 $0x108;
	s8 =	sld [smem:$0x3FB7]  }
0x2e: {  	s3 =	simm.s32 @!p0 $0x1082;
	s9 =	sld [smem:$0x3FB8]  }
0x2f: {  	lr =	sadd.s32 s0, s3;
	s0 =	sld [smem:$0x3FAF]  }
0x30: {  	s3 =	sld [smem:$0x3FB2]  }
0x31: {  	[smem:$0x3FBB] =	sst s10  }
0x32: {  	s10 =	sld [smem:$0x3FB9];
	_ =	sdelay $0x3  }
0x33: {  	p0 =	seq.s32 s10, $0x1;
	s10 =	sld [smem:$0x3FBB];
	_ =	sdelay $0x3  }
0x34: {  	[smem:$0x3FBB] =	sst s10  }
0x35: {  	s10 =	sld [smem:$0x3FBA];
	_ =	sdelay $0x3  }
0x36: {  	p1 =	seq.s32 s10, $0x1;
	s10 =	sld [smem:$0x3FBB];
	_ =	sdelay $0x3  }
0x37: {  	[smem:$0x3FBB] =	sst s10  }
0x38: {  	s10 =	sld [smem:$0x3FBC]  }
0x39: {  	_ = 	snop;
	(pc) =	sbr.ind lr, $3  }
0x3a: {  	_ = 	snop  }
0x3b: {  	_ = 	snop  }
0x3c: {  	p2 =	seq.s32 s10, $0x1;
	s10 =	sld [smem:$0x3FBB]  }
0x3d: {  	_ =	shalt  }
0x3e: {  	_ =	shalt  }
0x3f: {  	_ =	shalt  }
0x40: {  	_ =	shalt  }
0x41: {  	_ =	shalt  }
0x42: {  	_ =	shalt  }
0x43: {  	_ =	shalt  }
0x44: {  	_ =	shalt  }
0x45: {  	_ =	shalt  }
0x46: {  	_ =	shalt  }
0x47: {  	_ =	shalt  }
0x48: {  	_ =	shalt  }
0x49: {  	_ =	shalt  }
0x4a: {  	_ =	shalt  }
0x4b: {  	_ =	shalt  }
0x4c: {  	_ =	shalt  }
0x4d: {  	_ =	shalt  }
0x4e: {  	_ =	shalt  }
0x4f: {  	_ =	shalt  }
0x50: {  	_ =	shalt  }
0x51: {  	_ =	shalt  }
0x52: {  	_ =	shalt  }
0x53: {  	_ =	shalt  }
0x54: {  	_ =	shalt  }
0x55: {  	_ =	shalt  }
0x56: {  	_ =	shalt  }
0x57: {  	_ =	shalt  }
0x58: {  	_ =	shalt  }
0x59: {  	_ =	shalt  }
0x5a: {  	_ =	shalt  }
0x5b: {  	_ =	shalt  }
0x5c: {  	_ =	shalt  }
0x5d: {  	_ =	shalt  }
0x5e: {  	_ =	shalt  }
0x5f: {  	_ =	shalt  }
0x60: {  	_ =	shalt  }
0x61: {  	_ =	shalt  }
0x62: {  	_ =	shalt  }
0x63: {  	_ =	shalt  }
0x64: {  	_ =	shalt  }
0x65: {  	_ =	shalt  }
0x66: {  	_ =	shalt  }
0x67: {  	_ =	shalt  }
0x68: {  	_ =	shalt  }
0x69: {  	_ =	shalt  }
0x6a: {  	_ =	shalt  }
0x6b: {  	_ =	shalt  }
0x6c: {  	_ =	shalt  }
0x6d: {  	_ =	shalt  }
0x6e: {  	_ =	shalt  }
0x6f: {  	_ =	shalt  }
0x70: {  	_ =	shalt  }
0x71: {  	_ =	shalt  }
0x72: {  	_ =	shalt  }
0x73: {  	_ =	shalt  }
0x74: {  	_ =	shalt  }
0x75: {  	_ =	shalt  }
0x76: {  	_ =	shalt  }
0x77: {  	_ =	shalt  }
0x78: {  	_ =	shalt  }
0x79: {  	_ =	shalt  }
0x7a: {  	_ =	shalt  }
0x7b: {  	_ =	shalt  }
0x7c: {  	_ =	shalt  }
0x7d: {  	_ =	shalt  }
0x7e: {  	_ =	shalt  }
0x7f: {  	_ =	shalt  }
0x80: {  	_ =	shalt  }
0x81: {  	_ =	shalt  }
0x82: {  	_ =	shalt  }
0x83: {  	_ =	shalt  }
0x84: {  	_ =	shalt  }
0x85: {  	_ =	shalt  }
0x86: {  	_ =	shalt  }
0x87: {  	_ =	shalt  }
.Lfunc_end0:
.L_simem_size_0:
called_computation_lowered:
.L_overlay_start_0:
0x88: {  	s2 =	sld [smem:$0x3FD9]  }
0x89: {  	s3 =	sld [smem:$0x3FFE];
	_ =	sdelay $0x1  }
0x8a: {  	s1 =	srdreg.scid  }
0x8b: {  	s0 =	sand.u32 $0x1, s1  }
0x8c: {  	s18 =	sshll.u32 s0, $0xA;
	s2 =	sadd.s32 s3, s2  }
0x8d: {  	s2 =	sadd.s32 s2, s18  }
0x8e: {  	[smem:$0x3FC7] =	sst s2  }
0x8f: {  	_ = 	snop  }
0x90: {  	s2 =	sld [smem:$0x3FC9]  }
0x91: {  	s19 =	sld [smem:$0x3FD0];
	(tm) =	ssettm $0x1  }
0x92: {  	s4 =	sld [smem:$0x3FFB];
	_ =	sdelay $0x3  }
0x93: {  	_ =	strace s4  }
0x94: {  	s4 =	sld [smem:$0x3FFC];
	_ =	sdelay $0x3  }
0x95: {  	_ =	strace s4  }
0x96: {  	s4 =	sld [smem:$0x3FFD];
	_ =	sdelay $0x3  }
0x97: {  	_ =	strace s4  }
0x98: {  	_ =	strace $0x8FFFFFFF  }
0x99: {  	s20 =	sld [smem:$0x3FDB];
	_ =	sdelay $0x1  }
0x9a: {  	s5 =	simm.s32 $_scs_section_size  }
0x9b: {  	s6 =	simm.s32 $_size__tile_overlayer_lowered;
	s7 =	simm.s32 $_tile_overlayer_lowered  }
0x9c: {  	s23 =	simm.s32 $0x1BFF;
	s22 =	sshll.u32 s7, $0x1;
	s4 =	sadd.s32 s5, s20  }
0x9d: {  	s8 =	simm.s32 $0x0;
	s21 =	sshll.u32 s6, $0x1;
	s6 =	sadd.s32 s22, s4  }
0x9e: {  	[timem:s8], [sflag:s23] =	dma.local [hbm:s6], s21  }
0x9f: {  	_ =	swait.ge [sflag:s23], s21  }
0xa0: {  	s5 =	ssub.s32 $0x0, s21;
	[sflag:s23] =	ssyncset.done $0x0  }
0xa1: {  	[sflag:s23] =	ssyncadd.s32 s5;
	_ =	sdelay $0x1  }
0xa2: {  	s24 =	simm.s32 $0x1B8B  }
0xa3: {  	_ =	swait.ge [sflag:s24], $0x1  }
0xa4: {  	[sflag:s24] =	ssyncset.done $0x0  }
0xa5: {  	s25 =	simm.s32 $0x1B8E;
	[sflag:s24] =	ssyncadd.s32 $0xFFFFFFFF  }
0xa6: {  	s26 =	simm.s32 $execute0_lowered;
	[smem:$0x3FD2] =	sst s25  }
0xa7: {  	s5 =	sshll.u32 s26, $0x1;
	_ =	strace $0x80000046;
	[dreg:$0x1] =	wrdreg $0xFFFFFFFF  }
0xa8: {  	s28 =	simm.s32 $_size_execute0_lowered;
	s4 =	sadd.s32 s4, s5;
	[dreg:$0x0] =	wrdreg $0x0  }
0xa9: {  	s5 =	sshll.u32 s28, $0x1;
	[dreg:$0x2] =	wrdreg s4  }
0xaa: {  	[dreg:$0x3] =	wrdreg s5  }
0xab: {  	[dreg:$0x4] =	wrdreg $0xC0  }
0xac: {  	_ =	task [dreg:s8], $0x5FFFF  }
0xad: {  	[dreg:$0x1] =	wrdreg $0xFFFFFFFF  }
0xae: {  	[dreg:$0x0] =	wrdreg $0x60  }
0xaf: {  	[dreg:$0x2] =	wrdreg s2  }
0xb0: {  	[dreg:$0x3] =	wrdreg s19  }
0xb1: {  	[dreg:$0x4] =	wrdreg $0x9  }
0xb2: {  	_ =	task.clear_ibuf [dreg:s8], $0x5FFFF;
	_ =	strace $0x90000046  }
0xb3: {  	s29 =	simm.s32 $0x9;
	_ =	strace $0x80000048  }
0xb4: {  	_ =	swait.ge [sflag:s29], $0x1  }
0xb5: {  	[sflag:s29] =	ssyncadd.s32 $0xFFFFFFFF  }
0xb6: {  	_ =	strace $0x90000048  }
0xb7: {  	_ =	sfence  }
0xb8: {  	s30 =	sld [smem:$0x0];
	_ =	sdelay $0x2  }
0xb9: {  	s31 =	sshll.u32 s1, $0xD;
	s1 =	sshrl.u32 s1, $0x2  }
0xba: {  	s3 =	sand.u32 $0x4000, s31;
	s1 =	sadd.s32 s1, s30  }
0xbb: {  	s0 =	sor.u32 s3, s0;
	s1 =	sshll.u32 s1, $0x11  }
0xbc: {  	s0 =	sor.u32 s1, s0  }
0xbd: {  	s0 =	sadd.s32 $0x8F2B, s0  }
0xbe: {  	[sflag:s0] =	ssyncadd.remote.s32 $0x1  }
0xbf: {  	_ =	sfence.sel $0xFFFF  }
0xc0: {  	[dreg:$0x0] =	wrdreg $0xFFFFFFFF;
	(pc) =	sbr.abs _section_cstart, $3  }
0xc1: {  	[dreg:$0x1] =	wrdreg $0xFFFFFFFF  }
0xc2: {  	_ =	task.clear_ibuf [dreg:s8], $0x2FFFF;
	_ =	strace $0x9FFFFFFF  }
0xc3: {  	(tm) =	ssettm $0x7FFFFFFF  }
tec
execute0_lowered:
.L_overlay_start_1:
0x0: {  	(tag) =	ssettag $0x1  }
0x1: {  	s2 =	rddreg [dreg:$0x0]  }
0x2: {  	s1 =	srdreg.scid;
	s0 =	stileid.u32  }
0x3: {  	s3 =	rddreg [dreg:$0x1];
	s4 =	simm.s32 $0x0;
	s10 =	simm.s32 $0x3  }
0x4: {  	s11 =	simm.s32 $0x0;
	s5 =	sand.u32 $0x1, s1;
	s1 =	rddreg [dreg:$0x2]  }
0x5: {  	s6 =	sshll.u32 s0, $0x1;
	[smem:$0x7FF] =	sst s4;
	p0 =	sgt.u32 s0, $0x8  }
0x6: {  	p1 =	slt.u32 s0, $0x9;
	s6 =	sor.u32 s5, s6;
	s5 =	ssub.s32 $0x2, s5  }
0x7: {  	_ =	strace $0x80000047;
	s7 =	smul.u32 $0x65, s6;
	s8 =	sshrl.u32 s5, $0x1  }
0x8: {  	s6 =	smin.u32 s6, $0x12;
	s9 =	ssub.s32 s5, s8;
	s8 =	simm.s32 $0x1  }
0x9: {  	s5 =	sadd.s32 s6, s7;
	s7 =	simm.s32 $0x1;
	s6 =	simm.s32 $0x66  }
0xa: {  	s8 =	simm.s32 @!p1 $0x0;
	s9 =	smax.u32 s9, $0x1;
	s7 =	simm.s32 @!p0 $0x0  }
0xb: {  	v0 =	vimm.f32 $0.0e+00;
	v1 =	vlaneseq.u32;
	v2 =	vimm.f32 $1.000000000e+00;
	s6 =	simm.s32 @!p1 $0x65;
	s8 =	sadd.s32 $0x1, s8;
	s7 =	sadd.s32 $0x1, s7  }
.LBB2_1:
0xc: {  	s12 =	sand.u32 $0x70, s4;
	s13 =	sand.u32 $0x7C00, s4  }
0xd: {  	s12 =	sor.u32 s12, s13  }
0xe: {  	s14 =	simm.s32 $0x0;
	s13 =	simm.s32 $0x10;
	[tilespmem:s12+$0x2000] =	vst v0  }
.LBB2_2:
0xf: {  	p0 =	sne.s32 s13, $0xFF0  }
.Ltmp0:
0x10: {  	_ = 	snop;
	(pc) =	sbr.rel @p0 .LBB2_2-.Ltmp0, $4  }
0x11: {  	s14 =	sadd.s32 $0x80, s14  }
0x12: {  	s12 =	sand.u32 $0x70, s13;
	s15 =	sand.u32 $0x7C00, s14  }
0x13: {  	s12 =	sor.u32 s12, s15  }
0x14: {  	s13 =	sadd.s32 $0x10, s13;
	[tilespmem:s12+$0x2000] =	vst v0;
	s12 =	simm.s32 $0x0  }
0x15: {  	s13 =	sand.u32 $0x70, s12;
	s14 =	sand.u32 $0x7C00, s12  }
0x16: {  	s13 =	sor.u32 s13, s14  }
0x17: {  	s15 =	simm.s32 $0x0;
	s14 =	simm.s32 $0x10;
	[tilespmem:s13+$0x2080] =	vst v0  }
.LBB2_4:
0x18: {  	p0 =	sne.s32 s14, $0xFF0  }
.Ltmp1:
0x19: {  	_ = 	snop;
	(pc) =	sbr.rel @p0 .LBB2_4-.Ltmp1, $4  }
0x1a: {  	s15 =	sadd.s32 $0x80, s15  }
0x1b: {  	s16 =	sand.u32 $0x70, s14;
	s17 =	sand.u32 $0x7C00, s15  }
0x1c: {  	s16 =	sor.u32 s16, s17  }
0x1d: {  	s14 =	sadd.s32 $0x10, s14;
	[tilespmem:s16+$0x2080] =	vst v0  }
0x1e: {  	s14 =	simm.s32 $0x10;
	[tilespmem:s13+$0x2100] =	vst v0  }
.LBB2_6:
0x1f: {  	p0 =	sne.s32 s14, $0xFF0  }
.Ltmp2:
0x20: {  	_ = 	snop;
	(pc) =	sbr.rel @p0 .LBB2_6-.Ltmp2, $4  }
0x21: {  	s12 =	sadd.s32 $0x80, s12  }
0x22: {  	s13 =	sand.u32 $0x70, s14;
	s15 =	sand.u32 $0x7C00, s12  }
0x23: {  	s13 =	sor.u32 s13, s15  }
0x24: {  	s14 =	sadd.s32 $0x10, s14;
	[tilespmem:s13+$0x2100] =	vst v0;
	s13 =	simm.s32 $0x0  }
0x25: {  	s12 =	sand.u32 $0x70, s13;
	s14 =	sand.u32 $0x7C00, s13  }
0x26: {  	s12 =	sor.u32 s12, s14  }
0x27: {  	s15 =	simm.s32 $0x0;
	s14 =	simm.s32 $0x10;
	[tilespmem:s12+$0x2180] =	vst v0  }
.LBB2_8:
0x28: {  	p0 =	sne.s32 s14, $0xFF0  }
.Ltmp3:
0x29: {  	_ = 	snop;
	(pc) =	sbr.rel @p0 .LBB2_8-.Ltmp3, $4  }
0x2a: {  	s15 =	sadd.s32 $0x80, s15  }
0x2b: {  	s16 =	sand.u32 $0x70, s14;
	s17 =	sand.u32 $0x7C00, s15  }
0x2c: {  	s16 =	sor.u32 s16, s17  }
0x2d: {  	s14 =	sadd.s32 $0x10, s14;
	[tilespmem:s16+$0x2180] =	vst v0  }
0x2e: {  	s14 =	simm.s32 $0x10;
	[tilespmem:s12+$0x2200] =	vst v0  }
.LBB2_10:
0x2f: {  	p0 =	sne.s32 s14, $0xFF0  }
.Ltmp4:
0x30: {  	_ = 	snop;
	(pc) =	sbr.rel @p0 .LBB2_10-.Ltmp4, $4  }
0x31: {  	s13 =	sadd.s32 $0x80, s13  }
0x32: {  	s12 =	sand.u32 $0x70, s14;
	s15 =	sand.u32 $0x7C00, s13  }
0x33: {  	s12 =	sor.u32 s12, s15  }
0x34: {  	s14 =	sadd.s32 $0x10, s14;
	[tilespmem:s12+$0x2200] =	vst v0;
	s12 =	simm.s32 $0x0  }
0x35: {  	s13 =	sand.u32 $0x70, s12;
	s14 =	sand.u32 $0x7C00, s12  }
0x36: {  	s13 =	sor.u32 s13, s14  }
0x37: {  	s15 =	simm.s32 $0x0;
	s14 =	simm.s32 $0x10;
	[tilespmem:s13+$0x2280] =	vst v0  }
.LBB2_12:
0x38: {  	p0 =	sne.s32 s14, $0xFF0  }
.Ltmp5:
0x39: {  	_ = 	snop;
	(pc) =	sbr.rel @p0 .LBB2_12-.Ltmp5, $4  }
0x3a: {  	s15 =	sadd.s32 $0x80, s15  }
0x3b: {  	s16 =	sand.u32 $0x70, s14;
	s17 =	sand.u32 $0x7C00, s15  }
0x3c: {  	s16 =	sor.u32 s16, s17  }
0x3d: {  	s14 =	sadd.s32 $0x10, s14;
	[tilespmem:s16+$0x2280] =	vst v0  }
0x3e: {  	s14 =	simm.s32 $0x10;
	[tilespmem:s13+$0x2300] =	vst v0  }
.LBB2_14:
0x3f: {  	p0 =	sne.s32 s14, $0xFF0  }
.Ltmp6:
0x40: {  	_ = 	snop;
	(pc) =	sbr.rel @p0 .LBB2_14-.Ltmp6, $4  }
0x41: {  	s12 =	sadd.s32 $0x80, s12  }
0x42: {  	s13 =	sand.u32 $0x70, s14;
	s15 =	sand.u32 $0x7C00, s12  }
0x43: {  	s13 =	sor.u32 s13, s15  }
0x44: {  	s14 =	sadd.s32 $0x10, s14;
	[tilespmem:s13+$0x2300] =	vst v0;
	s13 =	simm.s32 $0x0  }
0x45: {  	s12 =	sand.u32 $0x70, s13;
	s14 =	sand.u32 $0x7C00, s13  }
0x46: {  	s12 =	sor.u32 s12, s14  }
0x47: {  	s15 =	simm.s32 $0x0;
	s14 =	simm.s32 $0x10;
	[tilespmem:s12+$0x2380] =	vst v0  }
.LBB2_16:
0x48: {  	p0 =	sne.s32 s14, $0xFF0  }
.Ltmp7:
0x49: {  	_ = 	snop;
	(pc) =	sbr.rel @p0 .LBB2_16-.Ltmp7, $4  }
0x4a: {  	s15 =	sadd.s32 $0x80, s15  }
0x4b: {  	s16 =	sand.u32 $0x70, s14;
	s17 =	sand.u32 $0x7C00, s15  }
0x4c: {  	s16 =	sor.u32 s16, s17  }
0x4d: {  	s14 =	sadd.s32 $0x10, s14;
	[tilespmem:s16+$0x2380] =	vst v0  }
0x4e: {  	s14 =	simm.s32 $0x10;
	[tilespmem:s12+$0xA000] =	vst v0  }
.LBB2_18:
0x4f: {  	p0 =	sne.s32 s14, $0xFF0  }
.Ltmp8:
0x50: {  	_ = 	snop;
	(pc) =	sbr.rel @p0 .LBB2_18-.Ltmp8, $4  }
0x51: {  	s13 =	sadd.s32 $0x80, s13  }
0x52: {  	s12 =	sand.u32 $0x70, s14;
	s15 =	sand.u32 $0x7C00, s13  }
0x53: {  	s12 =	sor.u32 s12, s15  }
0x54: {  	s14 =	sadd.s32 $0x10, s14;
	[tilespmem:s12+$0xA000] =	vst v0;
	s12 =	simm.s32 $0x0  }
0x55: {  	s13 =	sand.u32 $0x70, s12;
	s14 =	sand.u32 $0x7C00, s12  }
0x56: {  	s13 =	sor.u32 s13, s14  }
0x57: {  	s15 =	simm.s32 $0x0;
	s14 =	simm.s32 $0x10;
	[tilespmem:s13+$0xA080] =	vst v0  }
.LBB2_20:
0x58: {  	p0 =	sne.s32 s14, $0xFF0  }
.Ltmp9:
0x59: {  	_ = 	snop;
	(pc) =	sbr.rel @p0 .LBB2_20-.Ltmp9, $4  }
0x5a: {  	s15 =	sadd.s32 $0x80, s15  }
0x5b: {  	s16 =	sand.u32 $0x70, s14;
	s17 =	sand.u32 $0x7C00, s15  }
0x5c: {  	s16 =	sor.u32 s16, s17  }
0x5d: {  	s14 =	sadd.s32 $0x10, s14;
	[tilespmem:s16+$0xA080] =	vst v0  }
0x5e: {  	s14 =	simm.s32 $0x10;
	[tilespmem:s13+$0xA100] =	vst v0  }
.LBB2_22:
0x5f: {  	p0 =	sne.s32 s14, $0xFF0  }
.Ltmp10:
0x60: {  	_ = 	snop;
	(pc) =	sbr.rel @p0 .LBB2_22-.Ltmp10, $4  }
0x61: {  	s12 =	sadd.s32 $0x80, s12  }
0x62: {  	s13 =	sand.u32 $0x70, s14;
	s15 =	sand.u32 $0x7C00, s12  }
0x63: {  	s13 =	sor.u32 s13, s15  }
0x64: {  	s14 =	sadd.s32 $0x10, s14;
	[tilespmem:s13+$0xA100] =	vst v0;
	s13 =	simm.s32 $0x0  }
0x65: {  	s12 =	sand.u32 $0x70, s13;
	s14 =	sand.u32 $0x7C00, s13  }
0x66: {  	s12 =	sor.u32 s12, s14  }
0x67: {  	s15 =	simm.s32 $0x0;
	s14 =	simm.s32 $0x10;
	[tilespmem:s12+$0xA180] =	vst v0  }
.LBB2_24:
0x68: {  	p0 =	sne.s32 s14, $0xFF0  }
.Ltmp11:
0x69: {  	_ = 	snop;
	(pc) =	sbr.rel @p0 .LBB2_24-.Ltmp11, $4  }
0x6a: {  	s15 =	sadd.s32 $0x80, s15  }
0x6b: {  	s16 =	sand.u32 $0x70, s14;
	s17 =	sand.u32 $0x7C00, s15  }
0x6c: {  	s16 =	sor.u32 s16, s17  }
0x6d: {  	s14 =	sadd.s32 $0x10, s14;
	[tilespmem:s16+$0xA180] =	vst v0  }
0x6e: {  	s15 =	simm.s32 $0x10;
	[tilespmem:s12+$0xA200] =	vst v0  }
.LBB2_26:
0x6f: {  	p0 =	sne.s32 s15, $0xFF0  }
.Ltmp12:
0x70: {  	_ = 	snop;
	(pc) =	sbr.rel @p0 .LBB2_26-.Ltmp12, $4  }
0x71: {  	s13 =	sadd.s32 $0x80, s13  }
0x72: {  	s12 =	sand.u32 $0x70, s15;
	s14 =	sand.u32 $0x7C00, s13  }
0x73: {  	s12 =	sor.u32 s12, s14  }
0x74: {  	s15 =	sadd.s32 $0x10, s15;
	s14 =	simm.s32 $0x0;
	[tilespmem:s12+$0xA200] =	vst v0  }
0x75: {  	s12 =	sand.u32 $0x70, s14;
	s13 =	sand.u32 $0x7C00, s14  }
0x76: {  	s12 =	sor.u32 s12, s13  }
0x77: {  	s15 =	simm.s32 $0x0;
	s13 =	simm.s32 $0x10;
	[tilespmem:s12+$0xA280] =	vst v0  }
.LBB2_28:
0x78: {  	p0 =	sne.s32 s13, $0xFF0  }
.Ltmp13:
0x79: {  	_ = 	snop;
	(pc) =	sbr.rel @p0 .LBB2_28-.Ltmp13, $4  }
0x7a: {  	s15 =	sadd.s32 $0x80, s15  }
0x7b: {  	s16 =	sand.u32 $0x70, s13;
	s17 =	sand.u32 $0x7C00, s15  }
0x7c: {  	s16 =	sor.u32 s16, s17  }
0x7d: {  	s13 =	sadd.s32 $0x10, s13;
	[tilespmem:s16+$0xA280] =	vst v0  }
0x7e: {  	s13 =	simm.s32 $0x10;
	[tilespmem:s12+$0xA300] =	vst v0  }
.LBB2_30:
0x7f: {  	p0 =	sne.s32 s13, $0xFF0  }
.Ltmp14:
0x80: {  	_ = 	snop;
	(pc) =	sbr.rel @p0 .LBB2_30-.Ltmp14, $4  }
0x81: {  	s14 =	sadd.s32 $0x80, s14  }
0x82: {  	s12 =	sand.u32 $0x70, s13;
	s15 =	sand.u32 $0x7C00, s14  }
0x83: {  	s12 =	sor.u32 s12, s15  }
0x84: {  	s13 =	sadd.s32 $0x10, s13;
	[tilespmem:s12+$0xA300] =	vst v0;
	s12 =	simm.s32 $0x0  }
0x85: {  	s13 =	simm.s32 $0x0;
	s14 =	simm.s32 $0x0  }
.LBB2_32:
0x86: {  	p0 =	sne.s32 s14, $0xFF0  }
.Ltmp15:
0x87: {  	_ = 	snop;
	(pc) =	sbr.rel @p0 .LBB2_32-.Ltmp15, $4  }
0x88: {  	_ = 	snop  }
0x89: {  	s15 =	sand.u32 $0x70, s14;
	s16 =	sand.u32 $0x7C00, s13  }
0x8a: {  	s15 =	sor.u32 s15, s16  }
0x8b: {  	s13 =	sadd.s32 $0x80, s13;
	s14 =	sadd.s32 $0x10, s14;
	[tilespmem:s15+$0xA380] =	vst v0  }
0x8c: {  	s14 =	simm.s32 $0xFFFFFFFF;
	p0 =	por $0x0, $0x0;
	s13 =	simm.s32 $0xFFFFFFFF  }
.LBB2_34:
0x8d: {  	p1 =	slt.u32 s12, $0x2  }
.Ltmp16:
0x8e: {  	_ = 	snop;
	(pc) =	sbr.rel @p1 .LBB2_38-.Ltmp16, $2  }
0x8f: {  	_ =	sdelay $0x2  }
0x90: {  	s16 =	sadd.s32 s12, s5;
	s15 =	sand.u32 $0x1, s12  }
0x91: {  	s17 =	sadd.s32 $0xFFFFFFFE, s16  }
0x92: {  	s20 =	sshll.u32 s15, $0x7;
	s18 =	smulhi.u32 $0x10624DD3, s17;
	s19 =	sshra.s32 s17, $0x1F  }
0x93: {  	s25 =	sadd.s32 $0x1, s15;
	v3 =	vmov s20;
	s19 =	smul.u32 $0x10624DD3, s19  }
0x94: {  	s21 =	simm.s32 $0x0;
	s22 =	simm.s32 $0x0;
	_ =	swait.ge [sflag:s25], $0x8000  }
0x95: {  	s23 =	sand.u32 $0x60, s22;
	s21 =	sand.u32 $0x1F00, s21;
	s18 =	sadd.s32 s19, s18  }
0x96: {  	[sflag:s25] =	ssyncset.done $0x0;
	s19 =	sshrl.u32 s18, $0x1F;
	s18 =	sshrl.u32 s18, $0x3  }
0x97: {  	s26 =	sor.u32 s23, s21;
	[sflag:s25] =	ssyncadd.s32 $0xFFFF8000;
	s18 =	sadd.s32 s19, s18  }
0x98: {  	v5 =	vld.idx.msk [tilespmem:v3+s26+$0x0 ss:$0x1], $0xffff;
	s18 =	smul.u32 $0x7D, s18;
	_ =	sdelay $0x1  }
0x99: {  	s17 =	ssub.s32 s17, s18  }
0x9a: {  	s17 =	sshll.u32 s17, $0x3  }
0x9b: {  	v4 =	vmov s17  }
0x9c: {  	v6 =	vmov s22;
	v5 =	vsub.s32 v5, v4  }
0x9d: {  	v6 =	vshll.u32 v6, $0x3;
	vm0 =	vlt.u32 v5, $0x8;
	v5 =	vshll.u32 v5, $0x7  }
0x9e: {  	v7 =	vor.u32 s22, v1;
	v6 =	vand.u32 $0x7C00, v6;
	v5 =	vnsel vm0, $0x0, v5  }
0x9f: {  	v7 =	vand.u32 $0x6F, v7;
	v5 =	vadd.s32 v6, v5  }
0xa0: {  	v5 =	vor.u32 v7, v5;
	_ =	sdelay $0x2  }
0xa1: {  	s28 =	sshll.u32 s15, $0xF;
	s29 =	simm.s32 $0x10  }
0xa2: {  	s30 =	sand.u32 $0x70, s29;
	s17 =	sor.u32 $0x2000, s28  }
0xa3: {  	s19 =	sor.u32 s30, s21;
	[tilespmem:v5+s17+$0x0] =	vst.idx.msk vm0, v0  }
0xa4: {  	v5 =	vld.idx.msk [tilespmem:v3+s19+$0x0 ss:$0x1], $0xffff;
	_ =	sdelay $0x4  }
0xa5: {  	v6 =	vmov s29;
	v5 =	vsub.s32 v5, v4  }
0xa6: {  	v6 =	vshll.u32 v6, $0x3;
	vm0 =	vlt.u32 v5, $0x8;
	v5 =	vshll.u32 v5, $0x7  }
0xa7: {  	v7 =	vor.u32 s29, v1;
	v6 =	vand.u32 $0x7C00, v6;
	v5 =	vnsel vm0, $0x0, v5  }
0xa8: {  	v7 =	vand.u32 $0x7F, v7;
	v5 =	vadd.s32 v6, v5  }
0xa9: {  	v7 =	vor.u32 v7, v5;
	_ =	sdelay $0x1  }
0xaa: {  	s31 =	simm.s32 $0x20  }
0xab: {  	s20 =	simm.s32 $0x40;
	s22 =	sand.u32 $0x60, s31  }
0xac: {  	s21 =	sand.u32 $0x1F00, s20;
	s18 =	simm.s32 $0x30;
	s19 =	simm.s32 $0x2;
	v6 =	vmov s31;
	v5 =	vor.u32 s31, v1  }
.LBB2_36:
0xad: {  	s19 =	sadd.s32 $0x2, s19;
	s22 =	sor.u32 s22, s21;
	[tilespmem:v7+s17+$0x0] =	vst.idx.msk vm0, v0  }
0xae: {  	p1 =	slt.u32 s19, $0xFE;
	v7 =	vld.idx.msk [tilespmem:v3+s22+$0x0 ss:$0x1], $0xffff;
	_ =	sdelay $0x5  }
0xaf: {  	v7 =	vsub.s32 v7, v4  }
0xb0: {  	v6 =	vshll.u32 v6, $0x3;
	vm0 =	vlt.u32 v7, $0x8;
	v7 =	vshll.u32 v7, $0x7  }
0xb1: {  	v6 =	vand.u32 $0x7C00, v6;
	v7 =	vnsel vm0, $0x0, v7  }
0xb2: {  	v5 =	vand.u32 $0x6F, v5;
	v6 =	vadd.s32 v6, v7  }
0xb3: {  	v5 =	vor.u32 v5, v6;
	_ =	sdelay $0x3  }
0xb4: {  	s22 =	sand.u32 $0x70, s18  }
0xb5: {  	s21 =	sor.u32 s22, s21;
	[tilespmem:v5+s17+$0x0] =	vst.idx.msk vm0, v0  }
0xb6: {  	v5 =	vld.idx.msk [tilespmem:v3+s21+$0x0 ss:$0x1], $0xffff;
	_ =	sdelay $0x5  }
0xb7: {  	v6 =	vmov s18;
	v5 =	vsub.s32 v5, v4  }
0xb8: {  	v6 =	vshll.u32 v6, $0x3;
	vm0 =	vlt.u32 v5, $0x8;
	v5 =	vshll.u32 v5, $0x7  }
0xb9: {  	v7 =	vor.u32 s18, v1;
	v6 =	vand.u32 $0x7C00, v6;
	v5 =	vnsel vm0, $0x0, v5  }
0xba: {  	v7 =	vand.u32 $0x7F, v7;
	v5 =	vadd.s32 v6, v5  }
.Ltmp17:
0xbb: {  	v7 =	vor.u32 v7, v5;
	(pc) =	sbr.rel @p1 .LBB2_36-.Ltmp17, $4  }
0xbc: {  	_ = 	snop  }
0xbd: {  	s18 =	sadd.s32 $0x20, s18  }
0xbe: {  	s20 =	sadd.s32 $0x40, s20;
	s23 =	sadd.s32 $0xFFFFFFF0, s18  }
0xbf: {  	s22 =	sand.u32 $0x60, s23;
	s21 =	sand.u32 $0x1F00, s20;
	v6 =	vmov s23;
	v5 =	vor.u32 s23, v1  }
0xc0: {  	_ =	sdelay $0x4  }
0xc1: {  	s19 =	sor.u32 s22, s21;
	[tilespmem:v7+s17+$0x0] =	vst.idx.msk vm0, v0  }
0xc2: {  	v7 =	vld.idx.msk [tilespmem:v3+s19+$0x0 ss:$0x1], $0xffff;
	_ =	sdelay $0x4  }
0xc3: {  	v7 =	vsub.s32 v7, v4  }
0xc4: {  	v6 =	vshll.u32 v6, $0x3;
	vm14 =	vlt.u32 v7, $0x8;
	v7 =	vshll.u32 v7, $0x7  }
0xc5: {  	v6 =	vand.u32 $0x7C00, v6;
	v7 =	vnsel vm14, $0x0, v7  }
0xc6: {  	v5 =	vand.u32 $0x6F, v5;
	v6 =	vadd.s32 v6, v7  }
0xc7: {  	v5 =	vor.u32 v5, v6;
	_ =	sdelay $0x3  }
0xc8: {  	s31 =	sand.u32 $0x70, s18  }
0xc9: {  	s19 =	sor.u32 s31, s21;
	[tilespmem:v5+s17+$0x0] =	vst.idx.msk vm14, v0  }
0xca: {  	v3 =	vld.idx.msk [tilespmem:v3+s19+$0x0 ss:$0x1], $0xffff;
	_ =	sdelay $0x4  }
0xcb: {  	v62 =	vmov s18;
	v3 =	vsub.s32 v3, v4  }
0xcc: {  	v4 =	vshll.u32 v62, $0x3;
	vm15 =	vlt.u32 v3, $0x8;
	v3 =	vshll.u32 v3, $0x7  }
0xcd: {  	v63 =	vor.u32 s18, v1;
	v4 =	vand.u32 $0x7C00, v4;
	v3 =	vnsel vm15, $0x0, v3  }
0xce: {  	v5 =	vand.u32 $0x7F, v63;
	v3 =	vadd.s32 v4, v3  }
0xcf: {  	v3 =	vor.u32 v5, v3;
	_ =	sdelay $0x4  }
0xd0: {  	[tilespmem:v3+s17+$0x0] =	vst.idx.msk vm15, v0  }
.LBB2_38:
0xd1: {  	s17 =	smulhi.u32 $0x10624DD3, s16  }
0xd2: {  	p1 =	seq.s32 s15, $0x0;
	s18 =	smov.u32 s14  }
0xd3: {  	s18 =	smov.u32 @p1 s13;
	s17 =	sshrl.u32 s17, $0x3  }
0xd4: {  	p2 =	seq.s32 s17, s18  }
.Ltmp18:
0xd5: {  	_ = 	snop;
	(pc) =	sbr.rel @p2 .LBB2_42-.Ltmp18, $1  }
0xd6: {  	_ =	sdelay $0x3  }
0xd7: {  	s18 =	sshll.u32 s17, $0xC;
	s19 =	sshll.u32 s17, $0x7  }
0xd8: {  	s18 =	sand.u32 $0xFFFF8000, s18;
	s19 =	sand.u32 $0x380, s19  }
0xd9: {  	s20 =	simm.s32 $0x1;
	s18 =	sor.u32 s19, s18  }
0xda: {  	s20 =	simm.s32 @!p0 $0x0;
	s19 =	sshrl.u32 s18, $0x3  }
0xdb: {  	s18 =	sshll.u32 s20, $0x7;
	s19 =	sadd.s32 s2, s19  }
0xdc: {  	s20 =	simm.s32 $0x80;
	s21 =	sadd.s32 $0x100, s18;
	s22 =	sadd.s32 $0x0, s19  }
.LBB2_40:
0xdd: {  	[tilespmem:s18], [sflag:$0x3] =	stream.linear.gather [hbm4b:s22+s4], $0x80, $0x38;
	[tilespmem:$0x12000] =	vst v63  }
0xde: {  	s22 =	smov.u32 s20;
	s18 =	smov.u32 s21;
	p2 =	sne.s32 s20, $0xF80  }
.Ltmp19:
0xdf: {  	s20 =	sadd.s32 $0x80, s20;
	(pc) =	sbr.rel @p2 .LBB2_40-.Ltmp19, $2  }
0xe0: {  	_ =	sdelay $0x2  }
0xe1: {  	s21 =	sadd.s32 $0x100, s21;
	s22 =	sadd.s32 s22, s19  }
0xe2: {  	[tilespmem:s18], [sflag:$0x3] =	stream.linear.gather [hbm4b:s22+s4], $0x80, $0x38;
	[tilespmem:$0x12000] =	vst v63  }
0xe3: {  	_ =	swait.ge [sflag:s10], $0x1000  }
0xe4: {  	[sflag:s10] =	ssyncset.done $0x0  }
0xe5: {  	[sflag:s10] =	ssyncadd.s32 $0xFFFFF000  }
.LBB2_42:
0xe6: {  	s18 =	sshll.u32 s15, $0x7  }
0xe7: {  	v3 =	vmov s18;
	_ =	sdelay $0x1  }
0xe8: {  	s25 =	simm.s32 $0x0;
	s19 =	simm.s32 $0x0  }
0xe9: {  	s20 =	sand.u32 $0x60, s19;
	s21 =	sand.u32 $0x1F00, s25  }
0xea: {  	s18 =	sor.u32 s20, s21  }
0xeb: {  	s26 =	smul.u32 $0x7D, s17;
	v5 =	vld.idx.msk [tilespmem:v3+s18+$0x0 ss:$0x1], $0xffff;
	_ =	sdelay $0x1  }
0xec: {  	s16 =	ssub.s32 s16, s26  }
0xed: {  	s28 =	sshll.u32 s16, $0x3  }
0xee: {  	v4 =	vmov s28  }
0xef: {  	v6 =	vmov s19;
	v5 =	vsub.s32 v5, v4  }
0xf0: {  	v6 =	vshll.u32 v6, $0x3;
	vm0 =	vlt.u32 v5, $0x8;
	v5 =	vshll.u32 v5, $0x7  }
0xf1: {  	v7 =	vor.u32 s19, v1;
	v6 =	vand.u32 $0x7C00, v6;
	v5 =	vnsel vm0, $0x0, v5  }
0xf2: {  	v7 =	vand.u32 $0x6F, v7;
	v5 =	vadd.s32 v6, v5  }
0xf3: {  	v5 =	vor.u32 v7, v5;
	_ =	sdelay $0x2  }
0xf4: {  	s29 =	sshll.u32 s15, $0xF;
	s30 =	simm.s32 $0x10  }
0xf5: {  	s31 =	sand.u32 $0x70, s30;
	s18 =	sor.u32 $0x2000, s29  }
0xf6: {  	s20 =	sor.u32 s31, s21;
	[tilespmem:v5+s18+$0x0] =	vst.idx.msk vm0, v2  }
0xf7: {  	v5 =	vld.idx.msk [tilespmem:v3+s20+$0x0 ss:$0x1], $0xffff;
	_ =	sdelay $0x4  }
0xf8: {  	v6 =	vmov s30;
	v5 =	vsub.s32 v5, v4  }
0xf9: {  	v6 =	vshll.u32 v6, $0x3;
	vm0 =	vlt.u32 v5, $0x8;
	v5 =	vshll.u32 v5, $0x7  }
0xfa: {  	v7 =	vor.u32 s30, v1;
	v6 =	vand.u32 $0x7C00, v6;
	v5 =	vnsel vm0, $0x0, v5  }
0xfb: {  	v7 =	vand.u32 $0x7F, v7;
	v5 =	vadd.s32 v6, v5  }
0xfc: {  	v7 =	vor.u32 v7, v5;
	_ =	sdelay $0x2  }
0xfd: {  	s24 =	simm.s32 $0x20;
	s19 =	simm.s32 $0x30;
	s21 =	simm.s32 $0x40  }
0xfe: {  	s23 =	sand.u32 $0x60, s24;
	s22 =	sand.u32 $0x1F00, s21;
	s20 =	simm.s32 $0x2;
	v6 =	vmov s24;
	v5 =	vor.u32 s24, v1  }
.LBB2_43:
0xff: {  	s20 =	sadd.s32 $0x2, s20;
	s23 =	sor.u32 s23, s22;
	[tilespmem:v7+s18+$0x0] =	vst.idx.msk vm0, v2  }
0x100: {  	p2 =	slt.u32 s20, $0xFE;
	v7 =	vld.idx.msk [tilespmem:v3+s23+$0x0 ss:$0x1], $0xffff;
	_ =	sdelay $0x5  }
0x101: {  	v7 =	vsub.s32 v7, v4  }
0x102: {  	v6 =	vshll.u32 v6, $0x3;
	vm0 =	vlt.u32 v7, $0x8;
	v7 =	vshll.u32 v7, $0x7  }
0x103: {  	v6 =	vand.u32 $0x7C00, v6;
	v7 =	vnsel vm0, $0x0, v7  }
0x104: {  	v5 =	vand.u32 $0x6F, v5;
	v6 =	vadd.s32 v6, v7  }
0x105: {  	v5 =	vor.u32 v5, v6;
	_ =	sdelay $0x3  }
0x106: {  	s23 =	sand.u32 $0x70, s19  }
0x107: {  	s22 =	sor.u32 s23, s22;
	[tilespmem:v5+s18+$0x0] =	vst.idx.msk vm0, v2  }
0x108: {  	v5 =	vld.idx.msk [tilespmem:v3+s22+$0x0 ss:$0x1], $0xffff;
	_ =	sdelay $0x5  }
0x109: {  	v6 =	vmov s19;
	v5 =	vsub.s32 v5, v4  }
0x10a: {  	v6 =	vshll.u32 v6, $0x3;
	vm0 =	vlt.u32 v5, $0x8;
	v5 =	vshll.u32 v5, $0x7  }
0x10b: {  	v7 =	vor.u32 s19, v1;
	v6 =	vand.u32 $0x7C00, v6;
	v5 =	vnsel vm0, $0x0, v5  }
0x10c: {  	v7 =	vand.u32 $0x7F, v7;
	v5 =	vadd.s32 v6, v5  }
.Ltmp20:
0x10d: {  	v7 =	vor.u32 v7, v5;
	(pc) =	sbr.rel @p2 .LBB2_43-.Ltmp20, $4  }
0x10e: {  	_ = 	snop  }
0x10f: {  	s19 =	sadd.s32 $0x20, s19  }
0x110: {  	s21 =	sadd.s32 $0x40, s21;
	s24 =	sadd.s32 $0xFFFFFFF0, s19  }
0x111: {  	s23 =	sand.u32 $0x60, s24;
	s22 =	sand.u32 $0x1F00, s21;
	v6 =	vmov s24;
	v5 =	vor.u32 s24, v1  }
0x112: {  	_ =	sdelay $0x4  }
0x113: {  	s20 =	sor.u32 s23, s22;
	[tilespmem:v7+s18+$0x0] =	vst.idx.msk vm0, v2  }
0x114: {  	v7 =	vld.idx.msk [tilespmem:v3+s20+$0x0 ss:$0x1], $0xffff;
	_ =	sdelay $0x4  }
0x115: {  	v7 =	vsub.s32 v7, v4  }
0x116: {  	v6 =	vshll.u32 v6, $0x3;
	vm14 =	vlt.u32 v7, $0x8;
	v7 =	vshll.u32 v7, $0x7  }
0x117: {  	v6 =	vand.u32 $0x7C00, v6;
	v7 =	vnsel vm14, $0x0, v7  }
0x118: {  	v5 =	vand.u32 $0x6F, v5;
	v6 =	vadd.s32 v6, v7  }
0x119: {  	v5 =	vor.u32 v5, v6;
	_ =	sdelay $0x3  }
0x11a: {  	s30 =	sand.u32 $0x70, s19  }
0x11b: {  	s20 =	sor.u32 s30, s22;
	[tilespmem:v5+s18+$0x0] =	vst.idx.msk vm14, v2  }
0x11c: {  	v3 =	vld.idx.msk [tilespmem:v3+s20+$0x0 ss:$0x1], $0xffff;
	_ =	sdelay $0x4  }
0x11d: {  	v62 =	vmov s19;
	v3 =	vsub.s32 v3, v4  }
0x11e: {  	v4 =	vshll.u32 v62, $0x3;
	vm15 =	vlt.u32 v3, $0x8;
	v3 =	vshll.u32 v3, $0x7  }
0x11f: {  	v63 =	vor.u32 s19, v1;
	v4 =	vand.u32 $0x7C00, v4;
	v3 =	vnsel vm15, $0x0, v3  }
0x120: {  	v5 =	vand.u32 $0x7F, v63;
	v3 =	vadd.s32 v4, v3  }
0x121: {  	s31 =	smul.u32 $0x3E8000, s17;
	s12 =	sadd.s32 $0x1, s12;
	v3 =	vor.u32 v5, v3  }
0x122: {  	s13 =	smov.u32 @p1 s17;
	s17 =	smov.u32 @p1 s14;
	p1 =	sne.s32 s12, s6  }
.Ltmp21:
0x123: {  	s16 =	sshll.u32 s16, $0xF;
	(pc) =	sbr.rel @p1 .LBB2_34-.Ltmp21, $4  }
0x124: {  	s16 =	sadd.s32 s16, s31  }
0x125: {  	s15 =	sadd.s32 $0x1, s15;
	s16 =	sshrl.u32 s16, $0x3  }
0x126: {  	p0 =	por !p0, !p0;
	s14 =	smov.u32 s17;
	s16 =	sadd.s32 s3, s16;
	[tilespmem:v3+s18+$0x0] =	vst.idx.msk vm15, v2  }
0x127: {  	[hbm4b:s16+s4] =	stream.linear.scatter [tilespmem:s18], [sflag:s15], $0x8000, $0x38;
	[tilespmem:$0x12000] =	vst v63  }
0x128: {  	s11 =	sadd.s32 $0x1, s11  }
0x129: {  	_ =	swait.ge [sflag:s7], $0x8000;
	p0 =	sne.s32 s11, s9  }
.Ltmp22:
0x12a: {  	[sflag:s7] =	ssyncset.done $0x0;
	(pc) =	sbr.rel @p0 .LBB2_1-.Ltmp22, $4  }
0x12b: {  	[sflag:s7] =	ssyncadd.s32 $0xFFFF8000  }
0x12c: {  	_ =	swait.ge [sflag:s8], $0x8000  }
0x12d: {  	[sflag:s8] =	ssyncset.done $0x0  }
0x12e: {  	[sflag:s8] =	ssyncadd.s32 $0xFFFF8000  }
0x12f: {  	_ =	sfence.sel $0x180000  }
0x130: {  	[bflag:$0x0] =	sbarrier.arrive $0xFFFF  }
0x131: {  	p0 =	sne.s32 s0, $0x0;
	_ =	strace $0x90000047  }
0x132: {  	s0 =	sadd.s32 @!p0 $0x100000, s1;
	[bflag:$0x2] =	sbarrier.arrive $0xFFFF  }
0x133: {  	[sflag:s0] =	ssyncadd.tile.s32 @!p0 $0x1;
	_ =	shalt  }
.Lfunc_end2:
_tile_overlayer_lowered:
.L_overlay_start_2:
0x134: {  	(tag) =	ssettag $0x2  }
0x135: {  	s0 =	rddreg [dreg:$0x0];
	s2 =	stileid.u32  }
0x136: {  	s1 =	rddreg [dreg:$0x1];
	p0 =	sne.s32 s2, $0x0  }
0x137: {  	s3 =	rddreg [dreg:$0x2];
	[bflag:$0x3] =	sbarrier.arrive $0xFFFF;
	s2 =	simm.s32 @!p0 $0x1C03  }
0x138: {  	[timem:s3], [sflag:s2] =	dma.local @!p0 [hbm:s0], s1  }
0x139: {  	s0 =	simm.s32 @!p0 $0x3  }
0x13a: {  	_ =	swait.ge @!p0 [sflag:s0], s1  }
0x13b: {  	s1 =	ssub.s32 @!p0 $0x0, s1;
	[sflag:s0] =	ssyncset.done @!p0 $0x0  }
0x13c: {  	[sflag:s0] =	ssyncadd.s32 @!p0 s1  }
0x13d: {  	[bflag:$0x3] =	sbarrier.arrive $0xFFFF  }
0x13e: {  	_ =	shalt  }

</sc_bundles>
